<compile_context>
chip_gen: v7x
topology: tpu7x:2x2x1
jax: 0.10.2.dev20260603
libtpu: 0.0.44.dev20260713+nightly
codegen_flags: <defaults>
</compile_context>

<pallas_src>
import jax
from jax import lax
from jax.experimental import pallas as pl
from jax.experimental.pallas import tpu as pltpu
from jax.experimental.pallas import tpu_sc as plsc

_SC_ROWS = 4096
_SC_WORKERS = 32
_SC_CHUNK = 64
_TC_BLK = 1024


def _sc_body(tab_hbm, out_hbm, buf):
    batch = out_hbm.shape[0]
    rows_per_w = _SC_ROWS // _SC_WORKERS
    wid = lax.axis_index("s") * 2 + lax.axis_index("c")
    base = wid * rows_per_w
    for c in range(rows_per_w // _SC_CHUNK):
        off = base + c * _SC_CHUNK
        pltpu.sync_copy(tab_hbm.at[pl.ds(off, _SC_CHUNK), :], buf)
        for b in range(batch):
            pltpu.sync_copy(buf, out_hbm.at[b, pl.ds(off, _SC_CHUNK), :])


def _tc_body(tab_hbm, part_hbm, out_hbm, buf, rsem, wsem):
    del part_hbm
    batch, seq_len, _ = out_hbm.shape
    n = (seq_len - _SC_ROWS) // _TC_BLK

    def read(i):
        return pltpu.make_async_copy(
            tab_hbm.at[pl.ds(_SC_ROWS + i * _TC_BLK, _TC_BLK), :],
            buf.at[i % 2], rsem.at[i % 2])

    def write(i, b):
        return pltpu.make_async_copy(
            buf.at[i % 2],
            out_hbm.at[b, pl.ds(_SC_ROWS + i * _TC_BLK, _TC_BLK), :],
            wsem.at[i % 2])

    read(0).start()
    for i in range(n):
        read(i).wait()
        for b in range(batch):
            write(i, b).start()
        if i + 1 < n:
            if i >= 1:
                for b in range(batch):
                    write(i - 1, b).wait()
            read(i + 1).start()
    if n >= 2:
        for b in range(batch):
            write(n - 2, b).wait()
    for b in range(batch):
        write(n - 1, b).wait()


def kernel(x, position_embedding):
    batch, seq_len, embed_dim = x.shape
    dtype = position_embedding.dtype
    tab = position_embedding[:seq_len]

    sc_mesh = plsc.VectorSubcoreMesh(core_axis_name="c", subcore_axis_name="s")
    sc_fill = pl.kernel(
        _sc_body,
        out_type=jax.ShapeDtypeStruct((batch, seq_len, embed_dim), dtype),
        mesh=sc_mesh,
        scratch_types=[pltpu.VMEM((_SC_CHUNK, embed_dim), dtype)],
    )
    partial = sc_fill(tab)

    return pl.pallas_call(
        _tc_body,
        in_specs=[pl.BlockSpec(memory_space=pltpu.MemorySpace.HBM),
                  pl.BlockSpec(memory_space=pltpu.MemorySpace.HBM)],
        out_specs=pl.BlockSpec(memory_space=pltpu.MemorySpace.HBM),
        out_shape=jax.ShapeDtypeStruct((batch, seq_len, embed_dim), dtype),
        input_output_aliases={1: 0},
        scratch_shapes=[
            pltpu.VMEM((2, _TC_BLK, embed_dim), dtype),
            pltpu.SemaphoreType.DMA((2,)),
            pltpu.SemaphoreType.DMA((2,)),
        ],
    )(tab, partial)

# --- scband reference (transcript-rebuilt; emitter-appended) ---
"""Pipeline reference for scband-learnable-positional-encoding-11991548690540 (READ-ONLY COPY).

The authoritative reference and input builder live on the scoring server;
editing this copy changes nothing except your own understanding.
"""

import jax, jax.numpy as jnp
import numpy as np

EMBED_DIM = 1024
MAX_LEN = 8192
BATCH = 4
SEQ_LEN = 8192


def setup_inputs(seed: int = 0) -> dict:
    key = jax.random.key(seed)
    k_x, k_tab = jax.random.split(key)
    x = jax.random.normal(k_x, (BATCH, SEQ_LEN, EMBED_DIM), dtype=jnp.float32)
    # learned parameter: nn.Embedding(max_len, embed_dim).weight
    position_embedding = jax.random.normal(k_tab, (MAX_LEN, EMBED_DIM), dtype=jnp.float32)
    return {"x": x, "position_embedding": position_embedding}


def reference(x, position_embedding):
    batch_size, seq_len, _ = x.shape
    position_ids = jnp.arange(seq_len, dtype=jnp.int32)
    position_ids = jnp.broadcast_to(position_ids[None, :], (batch_size, seq_len))
    # embedding lookup: gather rows of the table per position id
    position_encoding = jnp.take(position_embedding, position_ids, axis=0)
    return position_encoding

if __name__ == "__main__":
    import jax
    _d = setup_inputs()
    print(jax.jit(kernel)(*tuple(_d.values())))

</pallas_src>

<mosaic_0001>
#map = affine_map<(d0, d1) -> (0, 0)>
#map1 = affine_map<(d0, d1) -> (0, 0, 0)>
module attributes {stable_mosaic.version = 14 : i64} {
  func.func @_sc_body(%arg0: i32, %arg1: i32, %arg2: memref<8192x1024xf32, #tpu.memory_space<hbm>>, %arg3: memref<4x8192x1024xf32, #tpu.memory_space<hbm>>, %arg4: memref<64x1024xf32, #tpu.memory_space<vmem>>) attributes {dimension_semantics = [#tpu.dimension_semantics<core_parallel>, #tpu.dimension_semantics<subcore_parallel>], iteration_bounds = array<i64: 2, 16>, scalar_prefetch = 0 : i64, scratch_operands = 1 : i64, tpu.core_type = #tpu.core_type<sc_vector_subcore>, window_params = [{transform_indices = #map}, {transform_indices = #map1}]} {
    %mul3A = arith.constant 2 : i32
    %mul3A_0 = arith.muli %arg1, %mul3A : i32
    %add3A = arith.addi %mul3A_0, %arg0 : i32
    %mul3A_1 = arith.constant 128 : i32
    %mul3A_2 = arith.muli %add3A, %mul3A_1 : i32
    %add3A_3 = arith.constant 0 : i32
    %add3A_4 = arith.addi %mul3A_2, %add3A_3 : i32
    "tpu.region"() ({
      %run_scoped3A_14 = tpu.sem_alloc : memref<!tpu.dma_semaphore, #tpu.memory_space<semaphore_mem>>
      %dma_start3A = arith.constant 0 : i32
      %dma_start3A_15 = tpu.memref_slice %arg2[%add3A_4, %dma_start3A] : memref<8192x1024xf32, #tpu.memory_space<hbm>> -> memref<64x1024xf32, #tpu.memory_space<hbm>>
      %dma_start3A_16 = arith.constant 0 : i32
      %dma_start3A_17 = tpu.memref_slice %arg2[%add3A_4, %dma_start3A_16] : memref<8192x1024xf32, #tpu.memory_space<hbm>> -> memref<64x1024xf32, #tpu.memory_space<hbm>>
      tpu.enqueue_dma source(%dma_start3A_17 : memref<64x1024xf32, #tpu.memory_space<hbm>>) target(%arg4 : memref<64x1024xf32, #tpu.memory_space<vmem>>) target_semaphore(%run_scoped3A_14 : memref<!tpu.dma_semaphore, #tpu.memory_space<semaphore_mem>>)
      %dma_wait3A = arith.constant 0 : i32
      %dma_wait3A_18 = tpu.memref_slice %arg2[%add3A_4, %dma_wait3A] : memref<8192x1024xf32, #tpu.memory_space<hbm>> -> memref<64x1024xf32, #tpu.memory_space<hbm>>
      %dma_wait3A_19 = arith.constant 0 : i32
      %dma_wait3A_20 = tpu.memref_slice %arg2[%add3A_4, %dma_wait3A_19] : memref<8192x1024xf32, #tpu.memory_space<hbm>> -> memref<64x1024xf32, #tpu.memory_space<hbm>>
      tpu.wait_dma2 semaphore(%run_scoped3A_14 : memref<!tpu.dma_semaphore, #tpu.memory_space<semaphore_mem>>) src(%dma_wait3A_20 : memref<64x1024xf32, #tpu.memory_space<hbm>>) dst(%arg4 : memref<64x1024xf32, #tpu.memory_space<vmem>>)
      tpu.yield
    }) : () -> ()
    %run_scoped3A = arith.constant 0 : i32
    "tpu.region"() ({
      %run_scoped3A_14 = tpu.sem_alloc : memref<!tpu.dma_semaphore, #tpu.memory_space<semaphore_mem>>
      %dma_start3A = arith.constant 0 : i32
      %dma_start3A_15 = tpu.memref_slice %arg3[%run_scoped3A, %add3A_4, %dma_start3A] : memref<4x8192x1024xf32, #tpu.memory_space<hbm>> -> memref<1x64x1024xf32, #tpu.memory_space<hbm>>
      %dma_start3A_16 = tpu.memref_squeeze %dma_start3A_15 : memref<1x64x1024xf32, #tpu.memory_space<hbm>> -> memref<64x1024xf32, #tpu.memory_space<hbm>>
      %dma_start3A_17 = arith.constant 0 : i32
      %dma_start3A_18 = tpu.memref_slice %arg3[%run_scoped3A, %add3A_4, %dma_start3A_17] : memref<4x8192x1024xf32, #tpu.memory_space<hbm>> -> memref<1x64x1024xf32, #tpu.memory_space<hbm>>
      %dma_start3A_19 = tpu.memref_squeeze %dma_start3A_18 : memref<1x64x1024xf32, #tpu.memory_space<hbm>> -> memref<64x1024xf32, #tpu.memory_space<hbm>>
      tpu.enqueue_dma source(%arg4 : memref<64x1024xf32, #tpu.memory_space<vmem>>) target(%dma_start3A_19 : memref<64x1024xf32, #tpu.memory_space<hbm>>) target_semaphore(%run_scoped3A_14 : memref<!tpu.dma_semaphore, #tpu.memory_space<semaphore_mem>>)
      %dma_wait3A = arith.constant 0 : i32
      %dma_wait3A_20 = tpu.memref_slice %arg3[%run_scoped3A, %add3A_4, %dma_wait3A] : memref<4x8192x1024xf32, #tpu.memory_space<hbm>> -> memref<1x64x1024xf32, #tpu.memory_space<hbm>>
      %dma_wait3A_21 = tpu.memref_squeeze %dma_wait3A_20 : memref<1x64x1024xf32, #tpu.memory_space<hbm>> -> memref<64x1024xf32, #tpu.memory_space<hbm>>
      %dma_wait3A_22 = arith.constant 0 : i32
      %dma_wait3A_23 = tpu.memref_slice %arg3[%run_scoped3A, %add3A_4, %dma_wait3A_22] : memref<4x8192x1024xf32, #tpu.memory_space<hbm>> -> memref<1x64x1024xf32, #tpu.memory_space<hbm>>
      %dma_wait3A_24 = tpu.memref_squeeze %dma_wait3A_23 : memref<1x64x1024xf32, #tpu.memory_space<hbm>> -> memref<64x1024xf32, #tpu.memory_space<hbm>>
      tpu.wait_dma2 semaphore(%run_scoped3A_14 : memref<!tpu.dma_semaphore, #tpu.memory_space<semaphore_mem>>) src(%arg4 : memref<64x1024xf32, #tpu.memory_space<vmem>>) dst(%dma_wait3A_24 : memref<64x1024xf32, #tpu.memory_space<hbm>>)
      tpu.yield
    }) : () -> ()
    %run_scoped3A_5 = arith.constant 1 : i32
    "tpu.region"() ({
      %run_scoped3A_14 = tpu.sem_alloc : memref<!tpu.dma_semaphore, #tpu.memory_space<semaphore_mem>>
      %dma_start3A = arith.constant 0 : i32
      %dma_start3A_15 = tpu.memref_slice %arg3[%run_scoped3A_5, %add3A_4, %dma_start3A] : memref<4x8192x1024xf32, #tpu.memory_space<hbm>> -> memref<1x64x1024xf32, #tpu.memory_space<hbm>>
      %dma_start3A_16 = tpu.memref_squeeze %dma_start3A_15 : memref<1x64x1024xf32, #tpu.memory_space<hbm>> -> memref<64x1024xf32, #tpu.memory_space<hbm>>
      %dma_start3A_17 = arith.constant 0 : i32
      %dma_start3A_18 = tpu.memref_slice %arg3[%run_scoped3A_5, %add3A_4, %dma_start3A_17] : memref<4x8192x1024xf32, #tpu.memory_space<hbm>> -> memref<1x64x1024xf32, #tpu.memory_space<hbm>>
      %dma_start3A_19 = tpu.memref_squeeze %dma_start3A_18 : memref<1x64x1024xf32, #tpu.memory_space<hbm>> -> memref<64x1024xf32, #tpu.memory_space<hbm>>
      tpu.enqueue_dma source(%arg4 : memref<64x1024xf32, #tpu.memory_space<vmem>>) target(%dma_start3A_19 : memref<64x1024xf32, #tpu.memory_space<hbm>>) target_semaphore(%run_scoped3A_14 : memref<!tpu.dma_semaphore, #tpu.memory_space<semaphore_mem>>)
      %dma_wait3A = arith.constant 0 : i32
      %dma_wait3A_20 = tpu.memref_slice %arg3[%run_scoped3A_5, %add3A_4, %dma_wait3A] : memref<4x8192x1024xf32, #tpu.memory_space<hbm>> -> memref<1x64x1024xf32, #tpu.memory_space<hbm>>
      %dma_wait3A_21 = tpu.memref_squeeze %dma_wait3A_20 : memref<1x64x1024xf32, #tpu.memory_space<hbm>> -> memref<64x1024xf32, #tpu.memory_space<hbm>>
      %dma_wait3A_22 = arith.constant 0 : i32
      %dma_wait3A_23 = tpu.memref_slice %arg3[%run_scoped3A_5, %add3A_4, %dma_wait3A_22] : memref<4x8192x1024xf32, #tpu.memory_space<hbm>> -> memref<1x64x1024xf32, #tpu.memory_space<hbm>>
      %dma_wait3A_24 = tpu.memref_squeeze %dma_wait3A_23 : memref<1x64x1024xf32, #tpu.memory_space<hbm>> -> memref<64x1024xf32, #tpu.memory_space<hbm>>
      tpu.wait_dma2 semaphore(%run_scoped3A_14 : memref<!tpu.dma_semaphore, #tpu.memory_space<semaphore_mem>>) src(%arg4 : memref<64x1024xf32, #tpu.memory_space<vmem>>) dst(%dma_wait3A_24 : memref<64x1024xf32, #tpu.memory_space<hbm>>)
      tpu.yield
    }) : () -> ()
    %run_scoped3A_6 = arith.constant 2 : i32
    "tpu.region"() ({
      %run_scoped3A_14 = tpu.sem_alloc : memref<!tpu.dma_semaphore, #tpu.memory_space<semaphore_mem>>
      %dma_start3A = arith.constant 0 : i32
      %dma_start3A_15 = tpu.memref_slice %arg3[%run_scoped3A_6, %add3A_4, %dma_start3A] : memref<4x8192x1024xf32, #tpu.memory_space<hbm>> -> memref<1x64x1024xf32, #tpu.memory_space<hbm>>
      %dma_start3A_16 = tpu.memref_squeeze %dma_start3A_15 : memref<1x64x1024xf32, #tpu.memory_space<hbm>> -> memref<64x1024xf32, #tpu.memory_space<hbm>>
      %dma_start3A_17 = arith.constant 0 : i32
      %dma_start3A_18 = tpu.memref_slice %arg3[%run_scoped3A_6, %add3A_4, %dma_start3A_17] : memref<4x8192x1024xf32, #tpu.memory_space<hbm>> -> memref<1x64x1024xf32, #tpu.memory_space<hbm>>
      %dma_start3A_19 = tpu.memref_squeeze %dma_start3A_18 : memref<1x64x1024xf32, #tpu.memory_space<hbm>> -> memref<64x1024xf32, #tpu.memory_space<hbm>>
      tpu.enqueue_dma source(%arg4 : memref<64x1024xf32, #tpu.memory_space<vmem>>) target(%dma_start3A_19 : memref<64x1024xf32, #tpu.memory_space<hbm>>) target_semaphore(%run_scoped3A_14 : memref<!tpu.dma_semaphore, #tpu.memory_space<semaphore_mem>>)
      %dma_wait3A = arith.constant 0 : i32
      %dma_wait3A_20 = tpu.memref_slice %arg3[%run_scoped3A_6, %add3A_4, %dma_wait3A] : memref<4x8192x1024xf32, #tpu.memory_space<hbm>> -> memref<1x64x1024xf32, #tpu.memory_space<hbm>>
      %dma_wait3A_21 = tpu.memref_squeeze %dma_wait3A_20 : memref<1x64x1024xf32, #tpu.memory_space<hbm>> -> memref<64x1024xf32, #tpu.memory_space<hbm>>
      %dma_wait3A_22 = arith.constant 0 : i32
      %dma_wait3A_23 = tpu.memref_slice %arg3[%run_scoped3A_6, %add3A_4, %dma_wait3A_22] : memref<4x8192x1024xf32, #tpu.memory_space<hbm>> -> memref<1x64x1024xf32, #tpu.memory_space<hbm>>
      %dma_wait3A_24 = tpu.memref_squeeze %dma_wait3A_23 : memref<1x64x1024xf32, #tpu.memory_space<hbm>> -> memref<64x1024xf32, #tpu.memory_space<hbm>>
      tpu.wait_dma2 semaphore(%run_scoped3A_14 : memref<!tpu.dma_semaphore, #tpu.memory_space<semaphore_mem>>) src(%arg4 : memref<64x1024xf32, #tpu.memory_space<vmem>>) dst(%dma_wait3A_24 : memref<64x1024xf32, #tpu.memory_space<hbm>>)
      tpu.yield
    }) : () -> ()
    %run_scoped3A_7 = arith.constant 3 : i32
    "tpu.region"() ({
      %run_scoped3A_14 = tpu.sem_alloc : memref<!tpu.dma_semaphore, #tpu.memory_space<semaphore_mem>>
      %dma_start3A = arith.constant 0 : i32
      %dma_start3A_15 = tpu.memref_slice %arg3[%run_scoped3A_7, %add3A_4, %dma_start3A] : memref<4x8192x1024xf32, #tpu.memory_space<hbm>> -> memref<1x64x1024xf32, #tpu.memory_space<hbm>>
      %dma_start3A_16 = tpu.memref_squeeze %dma_start3A_15 : memref<1x64x1024xf32, #tpu.memory_space<hbm>> -> memref<64x1024xf32, #tpu.memory_space<hbm>>
      %dma_start3A_17 = arith.constant 0 : i32
      %dma_start3A_18 = tpu.memref_slice %arg3[%run_scoped3A_7, %add3A_4, %dma_start3A_17] : memref<4x8192x1024xf32, #tpu.memory_space<hbm>> -> memref<1x64x1024xf32, #tpu.memory_space<hbm>>
      %dma_start3A_19 = tpu.memref_squeeze %dma_start3A_18 : memref<1x64x1024xf32, #tpu.memory_space<hbm>> -> memref<64x1024xf32, #tpu.memory_space<hbm>>
      tpu.enqueue_dma source(%arg4 : memref<64x1024xf32, #tpu.memory_space<vmem>>) target(%dma_start3A_19 : memref<64x1024xf32, #tpu.memory_space<hbm>>) target_semaphore(%run_scoped3A_14 : memref<!tpu.dma_semaphore, #tpu.memory_space<semaphore_mem>>)
      %dma_wait3A = arith.constant 0 : i32
      %dma_wait3A_20 = tpu.memref_slice %arg3[%run_scoped3A_7, %add3A_4, %dma_wait3A] : memref<4x8192x1024xf32, #tpu.memory_space<hbm>> -> memref<1x64x1024xf32, #tpu.memory_space<hbm>>
      %dma_wait3A_21 = tpu.memref_squeeze %dma_wait3A_20 : memref<1x64x1024xf32, #tpu.memory_space<hbm>> -> memref<64x1024xf32, #tpu.memory_space<hbm>>
      %dma_wait3A_22 = arith.constant 0 : i32
      %dma_wait3A_23 = tpu.memref_slice %arg3[%run_scoped3A_7, %add3A_4, %dma_wait3A_22] : memref<4x8192x1024xf32, #tpu.memory_space<hbm>> -> memref<1x64x1024xf32, #tpu.memory_space<hbm>>
      %dma_wait3A_24 = tpu.memref_squeeze %dma_wait3A_23 : memref<1x64x1024xf32, #tpu.memory_space<hbm>> -> memref<64x1024xf32, #tpu.memory_space<hbm>>
      tpu.wait_dma2 semaphore(%run_scoped3A_14 : memref<!tpu.dma_semaphore, #tpu.memory_space<semaphore_mem>>) src(%arg4 : memref<64x1024xf32, #tpu.memory_space<vmem>>) dst(%dma_wait3A_24 : memref<64x1024xf32, #tpu.memory_space<hbm>>)
      tpu.yield
    }) : () -> ()
    %add3A_8 = arith.constant 64 : i32
    %add3A_9 = arith.addi %mul3A_2, %add3A_8 : i32
    "tpu.region"() ({
      %run_scoped3A_14 = tpu.sem_alloc : memref<!tpu.dma_semaphore, #tpu.memory_space<semaphore_mem>>
      %dma_start3A = arith.constant 0 : i32
      %dma_start3A_15 = tpu.memref_slice %arg2[%add3A_9, %dma_start3A] : memref<8192x1024xf32, #tpu.memory_space<hbm>> -> memref<64x1024xf32, #tpu.memory_space<hbm>>
      %dma_start3A_16 = arith.constant 0 : i32
      %dma_start3A_17 = tpu.memref_slice %arg2[%add3A_9, %dma_start3A_16] : memref<8192x1024xf32, #tpu.memory_space<hbm>> -> memref<64x1024xf32, #tpu.memory_space<hbm>>
      tpu.enqueue_dma source(%dma_start3A_17 : memref<64x1024xf32, #tpu.memory_space<hbm>>) target(%arg4 : memref<64x1024xf32, #tpu.memory_space<vmem>>) target_semaphore(%run_scoped3A_14 : memref<!tpu.dma_semaphore, #tpu.memory_space<semaphore_mem>>)
      %dma_wait3A = arith.constant 0 : i32
      %dma_wait3A_18 = tpu.memref_slice %arg2[%add3A_9, %dma_wait3A] : memref<8192x1024xf32, #tpu.memory_space<hbm>> -> memref<64x1024xf32, #tpu.memory_space<hbm>>
      %dma_wait3A_19 = arith.constant 0 : i32
      %dma_wait3A_20 = tpu.memref_slice %arg2[%add3A_9, %dma_wait3A_19] : memref<8192x1024xf32, #tpu.memory_space<hbm>> -> memref<64x1024xf32, #tpu.memory_space<hbm>>
      tpu.wait_dma2 semaphore(%run_scoped3A_14 : memref<!tpu.dma_semaphore, #tpu.memory_space<semaphore_mem>>) src(%dma_wait3A_20 : memref<64x1024xf32, #tpu.memory_space<hbm>>) dst(%arg4 : memref<64x1024xf32, #tpu.memory_space<vmem>>)
      tpu.yield
    }) : () -> ()
    %run_scoped3A_10 = arith.constant 0 : i32
    "tpu.region"() ({
      %run_scoped3A_14 = tpu.sem_alloc : memref<!tpu.dma_semaphore, #tpu.memory_space<semaphore_mem>>
      %dma_start3A = arith.constant 0 : i32
      %dma_start3A_15 = tpu.memref_slice %arg3[%run_scoped3A_10, %add3A_9, %dma_start3A] : memref<4x8192x1024xf32, #tpu.memory_space<hbm>> -> memref<1x64x1024xf32, #tpu.memory_space<hbm>>
      %dma_start3A_16 = tpu.memref_squeeze %dma_start3A_15 : memref<1x64x1024xf32, #tpu.memory_space<hbm>> -> memref<64x1024xf32, #tpu.memory_space<hbm>>
      %dma_start3A_17 = arith.constant 0 : i32
      %dma_start3A_18 = tpu.memref_slice %arg3[%run_scoped3A_10, %add3A_9, %dma_start3A_17] : memref<4x8192x1024xf32, #tpu.memory_space<hbm>> -> memref<1x64x1024xf32, #tpu.memory_space<hbm>>
      %dma_start3A_19 = tpu.memref_squeeze %dma_start3A_18 : memref<1x64x1024xf32, #tpu.memory_space<hbm>> -> memref<64x1024xf32, #tpu.memory_space<hbm>>
      tpu.enqueue_dma source(%arg4 : memref<64x1024xf32, #tpu.memory_space<vmem>>) target(%dma_start3A_19 : memref<64x1024xf32, #tpu.memory_space<hbm>>) target_semaphore(%run_scoped3A_14 : memref<!tpu.dma_semaphore, #tpu.memory_space<semaphore_mem>>)
      %dma_wait3A = arith.constant 0 : i32
      %dma_wait3A_20 = tpu.memref_slice %arg3[%run_scoped3A_10, %add3A_9, %dma_wait3A] : memref<4x8192x1024xf32, #tpu.memory_space<hbm>> -> memref<1x64x1024xf32, #tpu.memory_space<hbm>>
      %dma_wait3A_21 = tpu.memref_squeeze %dma_wait3A_20 : memref<1x64x1024xf32, #tpu.memory_space<hbm>> -> memref<64x1024xf32, #tpu.memory_space<hbm>>
      %dma_wait3A_22 = arith.constant 0 : i32
      %dma_wait3A_23 = tpu.memref_slice %arg3[%run_scoped3A_10, %add3A_9, %dma_wait3A_22] : memref<4x8192x1024xf32, #tpu.memory_space<hbm>> -> memref<1x64x1024xf32, #tpu.memory_space<hbm>>
      %dma_wait3A_24 = tpu.memref_squeeze %dma_wait3A_23 : memref<1x64x1024xf32, #tpu.memory_space<hbm>> -> memref<64x1024xf32, #tpu.memory_space<hbm>>
      tpu.wait_dma2 semaphore(%run_scoped3A_14 : memref<!tpu.dma_semaphore, #tpu.memory_space<semaphore_mem>>) src(%arg4 : memref<64x1024xf32, #tpu.memory_space<vmem>>) dst(%dma_wait3A_24 : memref<64x1024xf32, #tpu.memory_space<hbm>>)
      tpu.yield
    }) : () -> ()
    %run_scoped3A_11 = arith.constant 1 : i32
    "tpu.region"() ({
      %run_scoped3A_14 = tpu.sem_alloc : memref<!tpu.dma_semaphore, #tpu.memory_space<semaphore_mem>>
      %dma_start3A = arith.constant 0 : i32
      %dma_start3A_15 = tpu.memref_slice %arg3[%run_scoped3A_11, %add3A_9, %dma_start3A] : memref<4x8192x1024xf32, #tpu.memory_space<hbm>> -> memref<1x64x1024xf32, #tpu.memory_space<hbm>>
      %dma_start3A_16 = tpu.memref_squeeze %dma_start3A_15 : memref<1x64x1024xf32, #tpu.memory_space<hbm>> -> memref<64x1024xf32, #tpu.memory_space<hbm>>
      %dma_start3A_17 = arith.constant 0 : i32
      %dma_start3A_18 = tpu.memref_slice %arg3[%run_scoped3A_11, %add3A_9, %dma_start3A_17] : memref<4x8192x1024xf32, #tpu.memory_space<hbm>> -> memref<1x64x1024xf32, #tpu.memory_space<hbm>>
      %dma_start3A_19 = tpu.memref_squeeze %dma_start3A_18 : memref<1x64x1024xf32, #tpu.memory_space<hbm>> -> memref<64x1024xf32, #tpu.memory_space<hbm>>
      tpu.enqueue_dma source(%arg4 : memref<64x1024xf32, #tpu.memory_space<vmem>>) target(%dma_start3A_19 : memref<64x1024xf32, #tpu.memory_space<hbm>>) target_semaphore(%run_scoped3A_14 : memref<!tpu.dma_semaphore, #tpu.memory_space<semaphore_mem>>)
      %dma_wait3A = arith.constant 0 : i32
      %dma_wait3A_20 = tpu.memref_slice %arg3[%run_scoped3A_11, %add3A_9, %dma_wait3A] : memref<4x8192x1024xf32, #tpu.memory_space<hbm>> -> memref<1x64x1024xf32, #tpu.memory_space<hbm>>
      %dma_wait3A_21 = tpu.memref_squeeze %dma_wait3A_20 : memref<1x64x1024xf32, #tpu.memory_space<hbm>> -> memref<64x1024xf32, #tpu.memory_space<hbm>>
      %dma_wait3A_22 = arith.constant 0 : i32
      %dma_wait3A_23 = tpu.memref_slice %arg3[%run_scoped3A_11, %add3A_9, %dma_wait3A_22] : memref<4x8192x1024xf32, #tpu.memory_space<hbm>> -> memref<1x64x1024xf32, #tpu.memory_space<hbm>>
      %dma_wait3A_24 = tpu.memref_squeeze %dma_wait3A_23 : memref<1x64x1024xf32, #tpu.memory_space<hbm>> -> memref<64x1024xf32, #tpu.memory_space<hbm>>
      tpu.wait_dma2 semaphore(%run_scoped3A_14 : memref<!tpu.dma_semaphore, #tpu.memory_space<semaphore_mem>>) src(%arg4 : memref<64x1024xf32, #tpu.memory_space<vmem>>) dst(%dma_wait3A_24 : memref<64x1024xf32, #tpu.memory_space<hbm>>)
      tpu.yield
    }) : () -> ()
    %run_scoped3A_12 = arith.constant 2 : i32
    "tpu.region"() ({
      %run_scoped3A_14 = tpu.sem_alloc : memref<!tpu.dma_semaphore, #tpu.memory_space<semaphore_mem>>
      %dma_start3A = arith.constant 0 : i32
      %dma_start3A_15 = tpu.memref_slice %arg3[%run_scoped3A_12, %add3A_9, %dma_start3A] : memref<4x8192x1024xf32, #tpu.memory_space<hbm>> -> memref<1x64x1024xf32, #tpu.memory_space<hbm>>
      %dma_start3A_16 = tpu.memref_squeeze %dma_start3A_15 : memref<1x64x1024xf32, #tpu.memory_space<hbm>> -> memref<64x1024xf32, #tpu.memory_space<hbm>>
      %dma_start3A_17 = arith.constant 0 : i32
      %dma_start3A_18 = tpu.memref_slice %arg3[%run_scoped3A_12, %add3A_9, %dma_start3A_17] : memref<4x8192x1024xf32, #tpu.memory_space<hbm>> -> memref<1x64x1024xf32, #tpu.memory_space<hbm>>
      %dma_start3A_19 = tpu.memref_squeeze %dma_start3A_18 : memref<1x64x1024xf32, #tpu.memory_space<hbm>> -> memref<64x1024xf32, #tpu.memory_space<hbm>>
      tpu.enqueue_dma source(%arg4 : memref<64x1024xf32, #tpu.memory_space<vmem>>) target(%dma_start3A_19 : memref<64x1024xf32, #tpu.memory_space<hbm>>) target_semaphore(%run_scoped3A_14 : memref<!tpu.dma_semaphore, #tpu.memory_space<semaphore_mem>>)
      %dma_wait3A = arith.constant 0 : i32
      %dma_wait3A_20 = tpu.memref_slice %arg3[%run_scoped3A_12, %add3A_9, %dma_wait3A] : memref<4x8192x1024xf32, #tpu.memory_space<hbm>> -> memref<1x64x1024xf32, #tpu.memory_space<hbm>>
      %dma_wait3A_21 = tpu.memref_squeeze %dma_wait3A_20 : memref<1x64x1024xf32, #tpu.memory_space<hbm>> -> memref<64x1024xf32, #tpu.memory_space<hbm>>
      %dma_wait3A_22 = arith.constant 0 : i32
      %dma_wait3A_23 = tpu.memref_slice %arg3[%run_scoped3A_12, %add3A_9, %dma_wait3A_22] : memref<4x8192x1024xf32, #tpu.memory_space<hbm>> -> memref<1x64x1024xf32, #tpu.memory_space<hbm>>
      %dma_wait3A_24 = tpu.memref_squeeze %dma_wait3A_23 : memref<1x64x1024xf32, #tpu.memory_space<hbm>> -> memref<64x1024xf32, #tpu.memory_space<hbm>>
      tpu.wait_dma2 semaphore(%run_scoped3A_14 : memref<!tpu.dma_semaphore, #tpu.memory_space<semaphore_mem>>) src(%arg4 : memref<64x1024xf32, #tpu.memory_space<vmem>>) dst(%dma_wait3A_24 : memref<64x1024xf32, #tpu.memory_space<hbm>>)
      tpu.yield
    }) : () -> ()
    %run_scoped3A_13 = arith.constant 3 : i32
    "tpu.region"() ({
      %run_scoped3A_14 = tpu.sem_alloc : memref<!tpu.dma_semaphore, #tpu.memory_space<semaphore_mem>>
      %dma_start3A = arith.constant 0 : i32
      %dma_start3A_15 = tpu.memref_slice %arg3[%run_scoped3A_13, %add3A_9, %dma_start3A] : memref<4x8192x1024xf32, #tpu.memory_space<hbm>> -> memref<1x64x1024xf32, #tpu.memory_space<hbm>>
      %dma_start3A_16 = tpu.memref_squeeze %dma_start3A_15 : memref<1x64x1024xf32, #tpu.memory_space<hbm>> -> memref<64x1024xf32, #tpu.memory_space<hbm>>
      %dma_start3A_17 = arith.constant 0 : i32
      %dma_start3A_18 = tpu.memref_slice %arg3[%run_scoped3A_13, %add3A_9, %dma_start3A_17] : memref<4x8192x1024xf32, #tpu.memory_space<hbm>> -> memref<1x64x1024xf32, #tpu.memory_space<hbm>>
      %dma_start3A_19 = tpu.memref_squeeze %dma_start3A_18 : memref<1x64x1024xf32, #tpu.memory_space<hbm>> -> memref<64x1024xf32, #tpu.memory_space<hbm>>
      tpu.enqueue_dma source(%arg4 : memref<64x1024xf32, #tpu.memory_space<vmem>>) target(%dma_start3A_19 : memref<64x1024xf32, #tpu.memory_space<hbm>>) target_semaphore(%run_scoped3A_14 : memref<!tpu.dma_semaphore, #tpu.memory_space<semaphore_mem>>)
      %dma_wait3A = arith.constant 0 : i32
      %dma_wait3A_20 = tpu.memref_slice %arg3[%run_scoped3A_13, %add3A_9, %dma_wait3A] : memref<4x8192x1024xf32, #tpu.memory_space<hbm>> -> memref<1x64x1024xf32, #tpu.memory_space<hbm>>
      %dma_wait3A_21 = tpu.memref_squeeze %dma_wait3A_20 : memref<1x64x1024xf32, #tpu.memory_space<hbm>> -> memref<64x1024xf32, #tpu.memory_space<hbm>>
      %dma_wait3A_22 = arith.constant 0 : i32
      %dma_wait3A_23 = tpu.memref_slice %arg3[%run_scoped3A_13, %add3A_9, %dma_wait3A_22] : memref<4x8192x1024xf32, #tpu.memory_space<hbm>> -> memref<1x64x1024xf32, #tpu.memory_space<hbm>>
      %dma_wait3A_24 = tpu.memref_squeeze %dma_wait3A_23 : memref<1x64x1024xf32, #tpu.memory_space<hbm>> -> memref<64x1024xf32, #tpu.memory_space<hbm>>
      tpu.wait_dma2 semaphore(%run_scoped3A_14 : memref<!tpu.dma_semaphore, #tpu.memory_space<semaphore_mem>>) src(%arg4 : memref<64x1024xf32, #tpu.memory_space<vmem>>) dst(%dma_wait3A_24 : memref<64x1024xf32, #tpu.memory_space<hbm>>)
      tpu.yield
    }) : () -> ()
    return
  }
}

module attributes {stable_mosaic.version = 14 : i64} {
  func.func @_tc_body(%arg0: memref<8192x1024xf32, #tpu.memory_space<hbm>>, %arg1: memref<4x8192x1024xf32, #tpu.memory_space<hbm>>, %arg2: memref<4x8192x1024xf32, #tpu.memory_space<hbm>>, %arg3: memref<2x1024x1024xf32, #tpu.memory_space<vmem>>, %arg4: memref<2x!tpu.dma_semaphore, #tpu.memory_space<semaphore_mem>>, %arg5: memref<2x!tpu.dma_semaphore, #tpu.memory_space<semaphore_mem>>) attributes {dimension_semantics = [], scalar_prefetch = 0 : i64, scratch_operands = 3 : i64, tpu.core_type = #tpu.core_type<tc>} {
    %dma_start3A = arith.constant 0 : i32
    %dma_start3A_0 = arith.constant 0 : i32
    %dma_start3A_1 = tpu.memref_slice %arg4[%dma_start3A_0] : memref<2x!tpu.dma_semaphore, #tpu.memory_space<semaphore_mem>> -> memref<1x!tpu.dma_semaphore, #tpu.memory_space<semaphore_mem>>
    %dma_start3A_2 = tpu.memref_squeeze %dma_start3A_1 : memref<1x!tpu.dma_semaphore, #tpu.memory_space<semaphore_mem>> -> memref<!tpu.dma_semaphore, #tpu.memory_space<semaphore_mem>>
    %dma_start3A_3 = arith.constant 0 : i32
    %dma_start3A_4 = arith.constant 0 : i32
    %dma_start3A_5 = tpu.memref_slice %arg3[%dma_start3A, %dma_start3A_3, %dma_start3A_4] : memref<2x1024x1024xf32, #tpu.memory_space<vmem>> -> memref<1x1024x1024xf32, #tpu.memory_space<vmem>>
    %dma_start3A_6 = tpu.memref_squeeze %dma_start3A_5 : memref<1x1024x1024xf32, #tpu.memory_space<vmem>> -> memref<1024x1024xf32, #tpu.memory_space<vmem>>
    %dma_start3A_7 = arith.constant 4096 : i32
    %dma_start3A_8 = arith.constant 0 : i32
    %dma_start3A_9 = tpu.memref_slice %arg0[%dma_start3A_7, %dma_start3A_8] : memref<8192x1024xf32, #tpu.memory_space<hbm>> -> memref<1024x1024xf32, #tpu.memory_space<hbm>>
    tpu.enqueue_dma source(%dma_start3A_9 : memref<1024x1024xf32, #tpu.memory_space<hbm>>) target(%dma_start3A_6 : memref<1024x1024xf32, #tpu.memory_space<vmem>>) target_semaphore(%dma_start3A_2 : memref<!tpu.dma_semaphore, #tpu.memory_space<semaphore_mem>>)
    %dma_wait3A = arith.constant 0 : i32
    %dma_wait3A_10 = arith.constant 0 : i32
    %dma_wait3A_11 = tpu.memref_slice %arg4[%dma_wait3A_10] : memref<2x!tpu.dma_semaphore, #tpu.memory_space<semaphore_mem>> -> memref<1x!tpu.dma_semaphore, #tpu.memory_space<semaphore_mem>>
    %dma_wait3A_12 = tpu.memref_squeeze %dma_wait3A_11 : memref<1x!tpu.dma_semaphore, #tpu.memory_space<semaphore_mem>> -> memref<!tpu.dma_semaphore, #tpu.memory_space<semaphore_mem>>
    %dma_wait3A_13 = arith.constant 0 : i32
    %dma_wait3A_14 = arith.constant 0 : i32
    %dma_wait3A_15 = tpu.memref_slice %arg3[%dma_wait3A, %dma_wait3A_13, %dma_wait3A_14] : memref<2x1024x1024xf32, #tpu.memory_space<vmem>> -> memref<1x1024x1024xf32, #tpu.memory_space<vmem>>
    %dma_wait3A_16 = tpu.memref_squeeze %dma_wait3A_15 : memref<1x1024x1024xf32, #tpu.memory_space<vmem>> -> memref<1024x1024xf32, #tpu.memory_space<vmem>>
    %dma_wait3A_17 = arith.constant 4096 : i32
    %dma_wait3A_18 = arith.constant 0 : i32
    %dma_wait3A_19 = tpu.memref_slice %arg0[%dma_wait3A_17, %dma_wait3A_18] : memref<8192x1024xf32, #tpu.memory_space<hbm>> -> memref<1024x1024xf32, #tpu.memory_space<hbm>>
    tpu.wait_dma2 semaphore(%dma_wait3A_12 : memref<!tpu.dma_semaphore, #tpu.memory_space<semaphore_mem>>) src(%dma_wait3A_19 : memref<1024x1024xf32, #tpu.memory_space<hbm>>) dst(%dma_wait3A_16 : memref<1024x1024xf32, #tpu.memory_space<vmem>>)
    %dma_start3A_20 = arith.constant 0 : i32
    %dma_start3A_21 = arith.constant 0 : i32
    %dma_start3A_22 = arith.constant 0 : i32
    %dma_start3A_23 = tpu.memref_slice %arg5[%dma_start3A_22] : memref<2x!tpu.dma_semaphore, #tpu.memory_space<semaphore_mem>> -> memref<1x!tpu.dma_semaphore, #tpu.memory_space<semaphore_mem>>
    %dma_start3A_24 = tpu.memref_squeeze %dma_start3A_23 : memref<1x!tpu.dma_semaphore, #tpu.memory_space<semaphore_mem>> -> memref<!tpu.dma_semaphore, #tpu.memory_space<semaphore_mem>>
    %dma_start3A_25 = arith.constant 4096 : i32
    %dma_start3A_26 = arith.constant 0 : i32
    %dma_start3A_27 = tpu.memref_slice %arg2[%dma_start3A_21, %dma_start3A_25, %dma_start3A_26] : memref<4x8192x1024xf32, #tpu.memory_space<hbm>> -> memref<1x1024x1024xf32, #tpu.memory_space<hbm>>
    %dma_start3A_28 = tpu.memref_squeeze %dma_start3A_27 : memref<1x1024x1024xf32, #tpu.memory_space<hbm>> -> memref<1024x1024xf32, #tpu.memory_space<hbm>>
    %dma_start3A_29 = arith.constant 0 : i32
    %dma_start3A_30 = arith.constant 0 : i32
    %dma_start3A_31 = tpu.memref_slice %arg3[%dma_start3A_20, %dma_start3A_29, %dma_start3A_30] : memref<2x1024x1024xf32, #tpu.memory_space<vmem>> -> memref<1x1024x1024xf32, #tpu.memory_space<vmem>>
    %dma_start3A_32 = tpu.memref_squeeze %dma_start3A_31 : memref<1x1024x1024xf32, #tpu.memory_space<vmem>> -> memref<1024x1024xf32, #tpu.memory_space<vmem>>
    tpu.enqueue_dma source(%dma_start3A_32 : memref<1024x1024xf32, #tpu.memory_space<vmem>>) target(%dma_start3A_28 : memref<1024x1024xf32, #tpu.memory_space<hbm>>) target_semaphore(%dma_start3A_24 : memref<!tpu.dma_semaphore, #tpu.memory_space<semaphore_mem>>)
    %dma_start3A_33 = arith.constant 0 : i32
    %dma_start3A_34 = arith.constant 1 : i32
    %dma_start3A_35 = arith.constant 0 : i32
    %dma_start3A_36 = tpu.memref_slice %arg5[%dma_start3A_35] : memref<2x!tpu.dma_semaphore, #tpu.memory_space<semaphore_mem>> -> memref<1x!tpu.dma_semaphore, #tpu.memory_space<semaphore_mem>>
    %dma_start3A_37 = tpu.memref_squeeze %dma_start3A_36 : memref<1x!tpu.dma_semaphore, #tpu.memory_space<semaphore_mem>> -> memref<!tpu.dma_semaphore, #tpu.memory_space<semaphore_mem>>
    %dma_start3A_38 = arith.constant 4096 : i32
    %dma_start3A_39 = arith.constant 0 : i32
    %dma_start3A_40 = tpu.memref_slice %arg2[%dma_start3A_34, %dma_start3A_38, %dma_start3A_39] : memref<4x8192x1024xf32, #tpu.memory_space<hbm>> -> memref<1x1024x1024xf32, #tpu.memory_space<hbm>>
    %dma_start3A_41 = tpu.memref_squeeze %dma_start3A_40 : memref<1x1024x1024xf32, #tpu.memory_space<hbm>> -> memref<1024x1024xf32, #tpu.memory_space<hbm>>
    %dma_start3A_42 = arith.constant 0 : i32
    %dma_start3A_43 = arith.constant 0 : i32
    %dma_start3A_44 = tpu.memref_slice %arg3[%dma_start3A_33, %dma_start3A_42, %dma_start3A_43] : memref<2x1024x1024xf32, #tpu.memory_space<vmem>> -> memref<1x1024x1024xf32, #tpu.memory_space<vmem>>
    %dma_start3A_45 = tpu.memref_squeeze %dma_start3A_44 : memref<1x1024x1024xf32, #tpu.memory_space<vmem>> -> memref<1024x1024xf32, #tpu.memory_space<vmem>>
    tpu.enqueue_dma source(%dma_start3A_45 : memref<1024x1024xf32, #tpu.memory_space<vmem>>) target(%dma_start3A_41 : memref<1024x1024xf32, #tpu.memory_space<hbm>>) target_semaphore(%dma_start3A_37 : memref<!tpu.dma_semaphore, #tpu.memory_space<semaphore_mem>>)
    %dma_start3A_46 = arith.constant 0 : i32
    %dma_start3A_47 = arith.constant 2 : i32
    %dma_start3A_48 = arith.constant 0 : i32
    %dma_start3A_49 = tpu.memref_slice %arg5[%dma_start3A_48] : memref<2x!tpu.dma_semaphore, #tpu.memory_space<semaphore_mem>> -> memref<1x!tpu.dma_semaphore, #tpu.memory_space<semaphore_mem>>
    %dma_start3A_50 = tpu.memref_squeeze %dma_start3A_49 : memref<1x!tpu.dma_semaphore, #tpu.memory_space<semaphore_mem>> -> memref<!tpu.dma_semaphore, #tpu.memory_space<semaphore_mem>>
    %dma_start3A_51 = arith.constant 4096 : i32
    %dma_start3A_52 = arith.constant 0 : i32
    %dma_start3A_53 = tpu.memref_slice %arg2[%dma_start3A_47, %dma_start3A_51, %dma_start3A_52] : memref<4x8192x1024xf32, #tpu.memory_space<hbm>> -> memref<1x1024x1024xf32, #tpu.memory_space<hbm>>
    %dma_start3A_54 = tpu.memref_squeeze %dma_start3A_53 : memref<1x1024x1024xf32, #tpu.memory_space<hbm>> -> memref<1024x1024xf32, #tpu.memory_space<hbm>>
    %dma_start3A_55 = arith.constant 0 : i32
    %dma_start3A_56 = arith.constant 0 : i32
    %dma_start3A_57 = tpu.memref_slice %arg3[%dma_start3A_46, %dma_start3A_55, %dma_start3A_56] : memref<2x1024x1024xf32, #tpu.memory_space<vmem>> -> memref<1x1024x1024xf32, #tpu.memory_space<vmem>>
    %dma_start3A_58 = tpu.memref_squeeze %dma_start3A_57 : memref<1x1024x1024xf32, #tpu.memory_space<vmem>> -> memref<1024x1024xf32, #tpu.memory_space<vmem>>
    tpu.enqueue_dma source(%dma_start3A_58 : memref<1024x1024xf32, #tpu.memory_space<vmem>>) target(%dma_start3A_54 : memref<1024x1024xf32, #tpu.memory_space<hbm>>) target_semaphore(%dma_start3A_50 : memref<!tpu.dma_semaphore, #tpu.memory_space<semaphore_mem>>)
    %dma_start3A_59 = arith.constant 0 : i32
    %dma_start3A_60 = arith.constant 3 : i32
    %dma_start3A_61 = arith.constant 0 : i32
    %dma_start3A_62 = tpu.memref_slice %arg5[%dma_start3A_61] : memref<2x!tpu.dma_semaphore, #tpu.memory_space<semaphore_mem>> -> memref<1x!tpu.dma_semaphore, #tpu.memory_space<semaphore_mem>>
    %dma_start3A_63 = tpu.memref_squeeze %dma_start3A_62 : memref<1x!tpu.dma_semaphore, #tpu.memory_space<semaphore_mem>> -> memref<!tpu.dma_semaphore, #tpu.memory_space<semaphore_mem>>
    %dma_start3A_64 = arith.constant 4096 : i32
    %dma_start3A_65 = arith.constant 0 : i32
    %dma_start3A_66 = tpu.memref_slice %arg2[%dma_start3A_60, %dma_start3A_64, %dma_start3A_65] : memref<4x8192x1024xf32, #tpu.memory_space<hbm>> -> memref<1x1024x1024xf32, #tpu.memory_space<hbm>>
    %dma_start3A_67 = tpu.memref_squeeze %dma_start3A_66 : memref<1x1024x1024xf32, #tpu.memory_space<hbm>> -> memref<1024x1024xf32, #tpu.memory_space<hbm>>
    %dma_start3A_68 = arith.constant 0 : i32
    %dma_start3A_69 = arith.constant 0 : i32
    %dma_start3A_70 = tpu.memref_slice %arg3[%dma_start3A_59, %dma_start3A_68, %dma_start3A_69] : memref<2x1024x1024xf32, #tpu.memory_space<vmem>> -> memref<1x1024x1024xf32, #tpu.memory_space<vmem>>
    %dma_start3A_71 = tpu.memref_squeeze %dma_start3A_70 : memref<1x1024x1024xf32, #tpu.memory_space<vmem>> -> memref<1024x1024xf32, #tpu.memory_space<vmem>>
    tpu.enqueue_dma source(%dma_start3A_71 : memref<1024x1024xf32, #tpu.memory_space<vmem>>) target(%dma_start3A_67 : memref<1024x1024xf32, #tpu.memory_space<hbm>>) target_semaphore(%dma_start3A_63 : memref<!tpu.dma_semaphore, #tpu.memory_space<semaphore_mem>>)
    %dma_start3A_72 = arith.constant 1 : i32
    %dma_start3A_73 = arith.constant 1 : i32
    %dma_start3A_74 = tpu.memref_slice %arg4[%dma_start3A_73] : memref<2x!tpu.dma_semaphore, #tpu.memory_space<semaphore_mem>> -> memref<1x!tpu.dma_semaphore, #tpu.memory_space<semaphore_mem>>
    %dma_start3A_75 = tpu.memref_squeeze %dma_start3A_74 : memref<1x!tpu.dma_semaphore, #tpu.memory_space<semaphore_mem>> -> memref<!tpu.dma_semaphore, #tpu.memory_space<semaphore_mem>>
    %dma_start3A_76 = arith.constant 0 : i32
    %dma_start3A_77 = arith.constant 0 : i32
    %dma_start3A_78 = tpu.memref_slice %arg3[%dma_start3A_72, %dma_start3A_76, %dma_start3A_77] : memref<2x1024x1024xf32, #tpu.memory_space<vmem>> -> memref<1x1024x1024xf32, #tpu.memory_space<vmem>>
    %dma_start3A_79 = tpu.memref_squeeze %dma_start3A_78 : memref<1x1024x1024xf32, #tpu.memory_space<vmem>> -> memref<1024x1024xf32, #tpu.memory_space<vmem>>
    %dma_start3A_80 = arith.constant 5120 : i32
    %dma_start3A_81 = arith.constant 0 : i32
    %dma_start3A_82 = tpu.memref_slice %arg0[%dma_start3A_80, %dma_start3A_81] : memref<8192x1024xf32, #tpu.memory_space<hbm>> -> memref<1024x1024xf32, #tpu.memory_space<hbm>>
    tpu.enqueue_dma source(%dma_start3A_82 : memref<1024x1024xf32, #tpu.memory_space<hbm>>) target(%dma_start3A_79 : memref<1024x1024xf32, #tpu.memory_space<vmem>>) target_semaphore(%dma_start3A_75 : memref<!tpu.dma_semaphore, #tpu.memory_space<semaphore_mem>>)
    %dma_wait3A_83 = arith.constant 1 : i32
    %dma_wait3A_84 = arith.constant 1 : i32
    %dma_wait3A_85 = tpu.memref_slice %arg4[%dma_wait3A_84] : memref<2x!tpu.dma_semaphore, #tpu.memory_space<semaphore_mem>> -> memref<1x!tpu.dma_semaphore, #tpu.memory_space<semaphore_mem>>
    %dma_wait3A_86 = tpu.memref_squeeze %dma_wait3A_85 : memref<1x!tpu.dma_semaphore, #tpu.memory_space<semaphore_mem>> -> memref<!tpu.dma_semaphore, #tpu.memory_space<semaphore_mem>>
    %dma_wait3A_87 = arith.constant 0 : i32
    %dma_wait3A_88 = arith.constant 0 : i32
    %dma_wait3A_89 = tpu.memref_slice %arg3[%dma_wait3A_83, %dma_wait3A_87, %dma_wait3A_88] : memref<2x1024x1024xf32, #tpu.memory_space<vmem>> -> memref<1x1024x1024xf32, #tpu.memory_space<vmem>>
    %dma_wait3A_90 = tpu.memref_squeeze %dma_wait3A_89 : memref<1x1024x1024xf32, #tpu.memory_space<vmem>> -> memref<1024x1024xf32, #tpu.memory_space<vmem>>
    %dma_wait3A_91 = arith.constant 5120 : i32
    %dma_wait3A_92 = arith.constant 0 : i32
    %dma_wait3A_93 = tpu.memref_slice %arg0[%dma_wait3A_91, %dma_wait3A_92] : memref<8192x1024xf32, #tpu.memory_space<hbm>> -> memref<1024x1024xf32, #tpu.memory_space<hbm>>
    tpu.wait_dma2 semaphore(%dma_wait3A_86 : memref<!tpu.dma_semaphore, #tpu.memory_space<semaphore_mem>>) src(%dma_wait3A_93 : memref<1024x1024xf32, #tpu.memory_space<hbm>>) dst(%dma_wait3A_90 : memref<1024x1024xf32, #tpu.memory_space<vmem>>)
    %dma_start3A_94 = arith.constant 1 : i32
    %dma_start3A_95 = arith.constant 0 : i32
    %dma_start3A_96 = arith.constant 1 : i32
    %dma_start3A_97 = tpu.memref_slice %arg5[%dma_start3A_96] : memref<2x!tpu.dma_semaphore, #tpu.memory_space<semaphore_mem>> -> memref<1x!tpu.dma_semaphore, #tpu.memory_space<semaphore_mem>>
    %dma_start3A_98 = tpu.memref_squeeze %dma_start3A_97 : memref<1x!tpu.dma_semaphore, #tpu.memory_space<semaphore_mem>> -> memref<!tpu.dma_semaphore, #tpu.memory_space<semaphore_mem>>
    %dma_start3A_99 = arith.constant 5120 : i32
    %dma_start3A_100 = arith.constant 0 : i32
    %dma_start3A_101 = tpu.memref_slice %arg2[%dma_start3A_95, %dma_start3A_99, %dma_start3A_100] : memref<4x8192x1024xf32, #tpu.memory_space<hbm>> -> memref<1x1024x1024xf32, #tpu.memory_space<hbm>>
    %dma_start3A_102 = tpu.memref_squeeze %dma_start3A_101 : memref<1x1024x1024xf32, #tpu.memory_space<hbm>> -> memref<1024x1024xf32, #tpu.memory_space<hbm>>
    %dma_start3A_103 = arith.constant 0 : i32
    %dma_start3A_104 = arith.constant 0 : i32
    %dma_start3A_105 = tpu.memref_slice %arg3[%dma_start3A_94, %dma_start3A_103, %dma_start3A_104] : memref<2x1024x1024xf32, #tpu.memory_space<vmem>> -> memref<1x1024x1024xf32, #tpu.memory_space<vmem>>
    %dma_start3A_106 = tpu.memref_squeeze %dma_start3A_105 : memref<1x1024x1024xf32, #tpu.memory_space<vmem>> -> memref<1024x1024xf32, #tpu.memory_space<vmem>>
    tpu.enqueue_dma source(%dma_start3A_106 : memref<1024x1024xf32, #tpu.memory_space<vmem>>) target(%dma_start3A_102 : memref<1024x1024xf32, #tpu.memory_space<hbm>>) target_semaphore(%dma_start3A_98 : memref<!tpu.dma_semaphore, #tpu.memory_space<semaphore_mem>>)
    %dma_start3A_107 = arith.constant 1 : i32
    %dma_start3A_108 = arith.constant 1 : i32
    %dma_start3A_109 = arith.constant 1 : i32
    %dma_start3A_110 = tpu.memref_slice %arg5[%dma_start3A_109] : memref<2x!tpu.dma_semaphore, #tpu.memory_space<semaphore_mem>> -> memref<1x!tpu.dma_semaphore, #tpu.memory_space<semaphore_mem>>
    %dma_start3A_111 = tpu.memref_squeeze %dma_start3A_110 : memref<1x!tpu.dma_semaphore, #tpu.memory_space<semaphore_mem>> -> memref<!tpu.dma_semaphore, #tpu.memory_space<semaphore_mem>>
    %dma_start3A_112 = arith.constant 5120 : i32
    %dma_start3A_113 = arith.constant 0 : i32
    %dma_start3A_114 = tpu.memref_slice %arg2[%dma_start3A_108, %dma_start3A_112, %dma_start3A_113] : memref<4x8192x1024xf32, #tpu.memory_space<hbm>> -> memref<1x1024x1024xf32, #tpu.memory_space<hbm>>
    %dma_start3A_115 = tpu.memref_squeeze %dma_start3A_114 : memref<1x1024x1024xf32, #tpu.memory_space<hbm>> -> memref<1024x1024xf32, #tpu.memory_space<hbm>>
    %dma_start3A_116 = arith.constant 0 : i32
    %dma_start3A_117 = arith.constant 0 : i32
    %dma_start3A_118 = tpu.memref_slice %arg3[%dma_start3A_107, %dma_start3A_116, %dma_start3A_117] : memref<2x1024x1024xf32, #tpu.memory_space<vmem>> -> memref<1x1024x1024xf32, #tpu.memory_space<vmem>>
    %dma_start3A_119 = tpu.memref_squeeze %dma_start3A_118 : memref<1x1024x1024xf32, #tpu.memory_space<vmem>> -> memref<1024x1024xf32, #tpu.memory_space<vmem>>
    tpu.enqueue_dma source(%dma_start3A_119 : memref<1024x1024xf32, #tpu.memory_space<vmem>>) target(%dma_start3A_115 : memref<1024x1024xf32, #tpu.memory_space<hbm>>) target_semaphore(%dma_start3A_111 : memref<!tpu.dma_semaphore, #tpu.memory_space<semaphore_mem>>)
    %dma_start3A_120 = arith.constant 1 : i32
    %dma_start3A_121 = arith.constant 2 : i32
    %dma_start3A_122 = arith.constant 1 : i32
    %dma_start3A_123 = tpu.memref_slice %arg5[%dma_start3A_122] : memref<2x!tpu.dma_semaphore, #tpu.memory_space<semaphore_mem>> -> memref<1x!tpu.dma_semaphore, #tpu.memory_space<semaphore_mem>>
    %dma_start3A_124 = tpu.memref_squeeze %dma_start3A_123 : memref<1x!tpu.dma_semaphore, #tpu.memory_space<semaphore_mem>> -> memref<!tpu.dma_semaphore, #tpu.memory_space<semaphore_mem>>
    %dma_start3A_125 = arith.constant 5120 : i32
    %dma_start3A_126 = arith.constant 0 : i32
    %dma_start3A_127 = tpu.memref_slice %arg2[%dma_start3A_121, %dma_start3A_125, %dma_start3A_126] : memref<4x8192x1024xf32, #tpu.memory_space<hbm>> -> memref<1x1024x1024xf32, #tpu.memory_space<hbm>>
    %dma_start3A_128 = tpu.memref_squeeze %dma_start3A_127 : memref<1x1024x1024xf32, #tpu.memory_space<hbm>> -> memref<1024x1024xf32, #tpu.memory_space<hbm>>
    %dma_start3A_129 = arith.constant 0 : i32
    %dma_start3A_130 = arith.constant 0 : i32
    %dma_start3A_131 = tpu.memref_slice %arg3[%dma_start3A_120, %dma_start3A_129, %dma_start3A_130] : memref<2x1024x1024xf32, #tpu.memory_space<vmem>> -> memref<1x1024x1024xf32, #tpu.memory_space<vmem>>
    %dma_start3A_132 = tpu.memref_squeeze %dma_start3A_131 : memref<1x1024x1024xf32, #tpu.memory_space<vmem>> -> memref<1024x1024xf32, #tpu.memory_space<vmem>>
    tpu.enqueue_dma source(%dma_start3A_132 : memref<1024x1024xf32, #tpu.memory_space<vmem>>) target(%dma_start3A_128 : memref<1024x1024xf32, #tpu.memory_space<hbm>>) target_semaphore(%dma_start3A_124 : memref<!tpu.dma_semaphore, #tpu.memory_space<semaphore_mem>>)
    %dma_start3A_133 = arith.constant 1 : i32
    %dma_start3A_134 = arith.constant 3 : i32
    %dma_start3A_135 = arith.constant 1 : i32
    %dma_start3A_136 = tpu.memref_slice %arg5[%dma_start3A_135] : memref<2x!tpu.dma_semaphore, #tpu.memory_space<semaphore_mem>> -> memref<1x!tpu.dma_semaphore, #tpu.memory_space<semaphore_mem>>
    %dma_start3A_137 = tpu.memref_squeeze %dma_start3A_136 : memref<1x!tpu.dma_semaphore, #tpu.memory_space<semaphore_mem>> -> memref<!tpu.dma_semaphore, #tpu.memory_space<semaphore_mem>>
    %dma_start3A_138 = arith.constant 5120 : i32
    %dma_start3A_139 = arith.constant 0 : i32
    %dma_start3A_140 = tpu.memref_slice %arg2[%dma_start3A_134, %dma_start3A_138, %dma_start3A_139] : memref<4x8192x1024xf32, #tpu.memory_space<hbm>> -> memref<1x1024x1024xf32, #tpu.memory_space<hbm>>
    %dma_start3A_141 = tpu.memref_squeeze %dma_start3A_140 : memref<1x1024x1024xf32, #tpu.memory_space<hbm>> -> memref<1024x1024xf32, #tpu.memory_space<hbm>>
    %dma_start3A_142 = arith.constant 0 : i32
    %dma_start3A_143 = arith.constant 0 : i32
    %dma_start3A_144 = tpu.memref_slice %arg3[%dma_start3A_133, %dma_start3A_142, %dma_start3A_143] : memref<2x1024x1024xf32, #tpu.memory_space<vmem>> -> memref<1x1024x1024xf32, #tpu.memory_space<vmem>>
    %dma_start3A_145 = tpu.memref_squeeze %dma_start3A_144 : memref<1x1024x1024xf32, #tpu.memory_space<vmem>> -> memref<1024x1024xf32, #tpu.memory_space<vmem>>
    tpu.enqueue_dma source(%dma_start3A_145 : memref<1024x1024xf32, #tpu.memory_space<vmem>>) target(%dma_start3A_141 : memref<1024x1024xf32, #tpu.memory_space<hbm>>) target_semaphore(%dma_start3A_137 : memref<!tpu.dma_semaphore, #tpu.memory_space<semaphore_mem>>)
    %dma_wait3A_146 = arith.constant 0 : i32
    %dma_wait3A_147 = arith.constant 0 : i32
    %dma_wait3A_148 = arith.constant 0 : i32
    %dma_wait3A_149 = tpu.memref_slice %arg5[%dma_wait3A_148] : memref<2x!tpu.dma_semaphore, #tpu.memory_space<semaphore_mem>> -> memref<1x!tpu.dma_semaphore, #tpu.memory_space<semaphore_mem>>
    %dma_wait3A_150 = tpu.memref_squeeze %dma_wait3A_149 : memref<1x!tpu.dma_semaphore, #tpu.memory_space<semaphore_mem>> -> memref<!tpu.dma_semaphore, #tpu.memory_space<semaphore_mem>>
    %dma_wait3A_151 = arith.constant 4096 : i32
    %dma_wait3A_152 = arith.constant 0 : i32
    %dma_wait3A_153 = tpu.memref_slice %arg2[%dma_wait3A_147, %dma_wait3A_151, %dma_wait3A_152] : memref<4x8192x1024xf32, #tpu.memory_space<hbm>> -> memref<1x1024x1024xf32, #tpu.memory_space<hbm>>
    %dma_wait3A_154 = tpu.memref_squeeze %dma_wait3A_153 : memref<1x1024x1024xf32, #tpu.memory_space<hbm>> -> memref<1024x1024xf32, #tpu.memory_space<hbm>>
    %dma_wait3A_155 = arith.constant 0 : i32
    %dma_wait3A_156 = arith.constant 0 : i32
    %dma_wait3A_157 = tpu.memref_slice %arg3[%dma_wait3A_146, %dma_wait3A_155, %dma_wait3A_156] : memref<2x1024x1024xf32, #tpu.memory_space<vmem>> -> memref<1x1024x1024xf32, #tpu.memory_space<vmem>>
    %dma_wait3A_158 = tpu.memref_squeeze %dma_wait3A_157 : memref<1x1024x1024xf32, #tpu.memory_space<vmem>> -> memref<1024x1024xf32, #tpu.memory_space<vmem>>
    tpu.wait_dma2 semaphore(%dma_wait3A_150 : memref<!tpu.dma_semaphore, #tpu.memory_space<semaphore_mem>>) src(%dma_wait3A_158 : memref<1024x1024xf32, #tpu.memory_space<vmem>>) dst(%dma_wait3A_154 : memref<1024x1024xf32, #tpu.memory_space<hbm>>)
    %dma_wait3A_159 = arith.constant 0 : i32
    %dma_wait3A_160 = arith.constant 1 : i32
    %dma_wait3A_161 = arith.constant 0 : i32
    %dma_wait3A_162 = tpu.memref_slice %arg5[%dma_wait3A_161] : memref<2x!tpu.dma_semaphore, #tpu.memory_space<semaphore_mem>> -> memref<1x!tpu.dma_semaphore, #tpu.memory_space<semaphore_mem>>
    %dma_wait3A_163 = tpu.memref_squeeze %dma_wait3A_162 : memref<1x!tpu.dma_semaphore, #tpu.memory_space<semaphore_mem>> -> memref<!tpu.dma_semaphore, #tpu.memory_space<semaphore_mem>>
    %dma_wait3A_164 = arith.constant 4096 : i32
    %dma_wait3A_165 = arith.constant 0 : i32
    %dma_wait3A_166 = tpu.memref_slice %arg2[%dma_wait3A_160, %dma_wait3A_164, %dma_wait3A_165] : memref<4x8192x1024xf32, #tpu.memory_space<hbm>> -> memref<1x1024x1024xf32, #tpu.memory_space<hbm>>
    %dma_wait3A_167 = tpu.memref_squeeze %dma_wait3A_166 : memref<1x1024x1024xf32, #tpu.memory_space<hbm>> -> memref<1024x1024xf32, #tpu.memory_space<hbm>>
    %dma_wait3A_168 = arith.constant 0 : i32
    %dma_wait3A_169 = arith.constant 0 : i32
    %dma_wait3A_170 = tpu.memref_slice %arg3[%dma_wait3A_159, %dma_wait3A_168, %dma_wait3A_169] : memref<2x1024x1024xf32, #tpu.memory_space<vmem>> -> memref<1x1024x1024xf32, #tpu.memory_space<vmem>>
    %dma_wait3A_171 = tpu.memref_squeeze %dma_wait3A_170 : memref<1x1024x1024xf32, #tpu.memory_space<vmem>> -> memref<1024x1024xf32, #tpu.memory_space<vmem>>
    tpu.wait_dma2 semaphore(%dma_wait3A_163 : memref<!tpu.dma_semaphore, #tpu.memory_space<semaphore_mem>>) src(%dma_wait3A_171 : memref<1024x1024xf32, #tpu.memory_space<vmem>>) dst(%dma_wait3A_167 : memref<1024x1024xf32, #tpu.memory_space<hbm>>)
    %dma_wait3A_172 = arith.constant 0 : i32
    %dma_wait3A_173 = arith.constant 2 : i32
    %dma_wait3A_174 = arith.constant 0 : i32
    %dma_wait3A_175 = tpu.memref_slice %arg5[%dma_wait3A_174] : memref<2x!tpu.dma_semaphore, #tpu.memory_space<semaphore_mem>> -> memref<1x!tpu.dma_semaphore, #tpu.memory_space<semaphore_mem>>
    %dma_wait3A_176 = tpu.memref_squeeze %dma_wait3A_175 : memref<1x!tpu.dma_semaphore, #tpu.memory_space<semaphore_mem>> -> memref<!tpu.dma_semaphore, #tpu.memory_space<semaphore_mem>>
    %dma_wait3A_177 = arith.constant 4096 : i32
    %dma_wait3A_178 = arith.constant 0 : i32
    %dma_wait3A_179 = tpu.memref_slice %arg2[%dma_wait3A_173, %dma_wait3A_177, %dma_wait3A_178] : memref<4x8192x1024xf32, #tpu.memory_space<hbm>> -> memref<1x1024x1024xf32, #tpu.memory_space<hbm>>
    %dma_wait3A_180 = tpu.memref_squeeze %dma_wait3A_179 : memref<1x1024x1024xf32, #tpu.memory_space<hbm>> -> memref<1024x1024xf32, #tpu.memory_space<hbm>>
    %dma_wait3A_181 = arith.constant 0 : i32
    %dma_wait3A_182 = arith.constant 0 : i32
    %dma_wait3A_183 = tpu.memref_slice %arg3[%dma_wait3A_172, %dma_wait3A_181, %dma_wait3A_182] : memref<2x1024x1024xf32, #tpu.memory_space<vmem>> -> memref<1x1024x1024xf32, #tpu.memory_space<vmem>>
    %dma_wait3A_184 = tpu.memref_squeeze %dma_wait3A_183 : memref<1x1024x1024xf32, #tpu.memory_space<vmem>> -> memref<1024x1024xf32, #tpu.memory_space<vmem>>
    tpu.wait_dma2 semaphore(%dma_wait3A_176 : memref<!tpu.dma_semaphore, #tpu.memory_space<semaphore_mem>>) src(%dma_wait3A_184 : memref<1024x1024xf32, #tpu.memory_space<vmem>>) dst(%dma_wait3A_180 : memref<1024x1024xf32, #tpu.memory_space<hbm>>)
    %dma_wait3A_185 = arith.constant 0 : i32
    %dma_wait3A_186 = arith.constant 3 : i32
    %dma_wait3A_187 = arith.constant 0 : i32
    %dma_wait3A_188 = tpu.memref_slice %arg5[%dma_wait3A_187] : memref<2x!tpu.dma_semaphore, #tpu.memory_space<semaphore_mem>> -> memref<1x!tpu.dma_semaphore, #tpu.memory_space<semaphore_mem>>
    %dma_wait3A_189 = tpu.memref_squeeze %dma_wait3A_188 : memref<1x!tpu.dma_semaphore, #tpu.memory_space<semaphore_mem>> -> memref<!tpu.dma_semaphore, #tpu.memory_space<semaphore_mem>>
    %dma_wait3A_190 = arith.constant 4096 : i32
    %dma_wait3A_191 = arith.constant 0 : i32
    %dma_wait3A_192 = tpu.memref_slice %arg2[%dma_wait3A_186, %dma_wait3A_190, %dma_wait3A_191] : memref<4x8192x1024xf32, #tpu.memory_space<hbm>> -> memref<1x1024x1024xf32, #tpu.memory_space<hbm>>
    %dma_wait3A_193 = tpu.memref_squeeze %dma_wait3A_192 : memref<1x1024x1024xf32, #tpu.memory_space<hbm>> -> memref<1024x1024xf32, #tpu.memory_space<hbm>>
    %dma_wait3A_194 = arith.constant 0 : i32
    %dma_wait3A_195 = arith.constant 0 : i32
    %dma_wait3A_196 = tpu.memref_slice %arg3[%dma_wait3A_185, %dma_wait3A_194, %dma_wait3A_195] : memref<2x1024x1024xf32, #tpu.memory_space<vmem>> -> memref<1x1024x1024xf32, #tpu.memory_space<vmem>>
    %dma_wait3A_197 = tpu.memref_squeeze %dma_wait3A_196 : memref<1x1024x1024xf32, #tpu.memory_space<vmem>> -> memref<1024x1024xf32, #tpu.memory_space<vmem>>
    tpu.wait_dma2 semaphore(%dma_wait3A_189 : memref<!tpu.dma_semaphore, #tpu.memory_space<semaphore_mem>>) src(%dma_wait3A_197 : memref<1024x1024xf32, #tpu.memory_space<vmem>>) dst(%dma_wait3A_193 : memref<1024x1024xf32, #tpu.memory_space<hbm>>)
    %dma_start3A_198 = arith.constant 0 : i32
    %dma_start3A_199 = arith.constant 0 : i32
    %dma_start3A_200 = tpu.memref_slice %arg4[%dma_start3A_199] : memref<2x!tpu.dma_semaphore, #tpu.memory_space<semaphore_mem>> -> memref<1x!tpu.dma_semaphore, #tpu.memory_space<semaphore_mem>>
    %dma_start3A_201 = tpu.memref_squeeze %dma_start3A_200 : memref<1x!tpu.dma_semaphore, #tpu.memory_space<semaphore_mem>> -> memref<!tpu.dma_semaphore, #tpu.memory_space<semaphore_mem>>
    %dma_start3A_202 = arith.constant 0 : i32
    %dma_start3A_203 = arith.constant 0 : i32
    %dma_start3A_204 = tpu.memref_slice %arg3[%dma_start3A_198, %dma_start3A_202, %dma_start3A_203] : memref<2x1024x1024xf32, #tpu.memory_space<vmem>> -> memref<1x1024x1024xf32, #tpu.memory_space<vmem>>
    %dma_start3A_205 = tpu.memref_squeeze %dma_start3A_204 : memref<1x1024x1024xf32, #tpu.memory_space<vmem>> -> memref<1024x1024xf32, #tpu.memory_space<vmem>>
    %dma_start3A_206 = arith.constant 6144 : i32
    %dma_start3A_207 = arith.constant 0 : i32
    %dma_start3A_208 = tpu.memref_slice %arg0[%dma_start3A_206, %dma_start3A_207] : memref<8192x1024xf32, #tpu.memory_space<hbm>> -> memref<1024x1024xf32, #tpu.memory_space<hbm>>
    tpu.enqueue_dma source(%dma_start3A_208 : memref<1024x1024xf32, #tpu.memory_space<hbm>>) target(%dma_start3A_205 : memref<1024x1024xf32, #tpu.memory_space<vmem>>) target_semaphore(%dma_start3A_201 : memref<!tpu.dma_semaphore, #tpu.memory_space<semaphore_mem>>)
    %dma_wait3A_209 = arith.constant 0 : i32
    %dma_wait3A_210 = arith.constant 0 : i32
    %dma_wait3A_211 = tpu.memref_slice %arg4[%dma_wait3A_210] : memref<2x!tpu.dma_semaphore, #tpu.memory_space<semaphore_mem>> -> memref<1x!tpu.dma_semaphore, #tpu.memory_space<semaphore_mem>>
    %dma_wait3A_212 = tpu.memref_squeeze %dma_wait3A_211 : memref<1x!tpu.dma_semaphore, #tpu.memory_space<semaphore_mem>> -> memref<!tpu.dma_semaphore, #tpu.memory_space<semaphore_mem>>
    %dma_wait3A_213 = arith.constant 0 : i32
    %dma_wait3A_214 = arith.constant 0 : i32
    %dma_wait3A_215 = tpu.memref_slice %arg3[%dma_wait3A_209, %dma_wait3A_213, %dma_wait3A_214] : memref<2x1024x1024xf32, #tpu.memory_space<vmem>> -> memref<1x1024x1024xf32, #tpu.memory_space<vmem>>
    %dma_wait3A_216 = tpu.memref_squeeze %dma_wait3A_215 : memref<1x1024x1024xf32, #tpu.memory_space<vmem>> -> memref<1024x1024xf32, #tpu.memory_space<vmem>>
    %dma_wait3A_217 = arith.constant 6144 : i32
    %dma_wait3A_218 = arith.constant 0 : i32
    %dma_wait3A_219 = tpu.memref_slice %arg0[%dma_wait3A_217, %dma_wait3A_218] : memref<8192x1024xf32, #tpu.memory_space<hbm>> -> memref<1024x1024xf32, #tpu.memory_space<hbm>>
    tpu.wait_dma2 semaphore(%dma_wait3A_212 : memref<!tpu.dma_semaphore, #tpu.memory_space<semaphore_mem>>) src(%dma_wait3A_219 : memref<1024x1024xf32, #tpu.memory_space<hbm>>) dst(%dma_wait3A_216 : memref<1024x1024xf32, #tpu.memory_space<vmem>>)
    %dma_start3A_220 = arith.constant 0 : i32
    %dma_start3A_221 = arith.constant 0 : i32
    %dma_start3A_222 = arith.constant 0 : i32
    %dma_start3A_223 = tpu.memref_slice %arg5[%dma_start3A_222] : memref<2x!tpu.dma_semaphore, #tpu.memory_space<semaphore_mem>> -> memref<1x!tpu.dma_semaphore, #tpu.memory_space<semaphore_mem>>
    %dma_start3A_224 = tpu.memref_squeeze %dma_start3A_223 : memref<1x!tpu.dma_semaphore, #tpu.memory_space<semaphore_mem>> -> memref<!tpu.dma_semaphore, #tpu.memory_space<semaphore_mem>>
    %dma_start3A_225 = arith.constant 6144 : i32
    %dma_start3A_226 = arith.constant 0 : i32
    %dma_start3A_227 = tpu.memref_slice %arg2[%dma_start3A_221, %dma_start3A_225, %dma_start3A_226] : memref<4x8192x1024xf32, #tpu.memory_space<hbm>> -> memref<1x1024x1024xf32, #tpu.memory_space<hbm>>
    %dma_start3A_228 = tpu.memref_squeeze %dma_start3A_227 : memref<1x1024x1024xf32, #tpu.memory_space<hbm>> -> memref<1024x1024xf32, #tpu.memory_space<hbm>>
    %dma_start3A_229 = arith.constant 0 : i32
    %dma_start3A_230 = arith.constant 0 : i32
    %dma_start3A_231 = tpu.memref_slice %arg3[%dma_start3A_220, %dma_start3A_229, %dma_start3A_230] : memref<2x1024x1024xf32, #tpu.memory_space<vmem>> -> memref<1x1024x1024xf32, #tpu.memory_space<vmem>>
    %dma_start3A_232 = tpu.memref_squeeze %dma_start3A_231 : memref<1x1024x1024xf32, #tpu.memory_space<vmem>> -> memref<1024x1024xf32, #tpu.memory_space<vmem>>
    tpu.enqueue_dma source(%dma_start3A_232 : memref<1024x1024xf32, #tpu.memory_space<vmem>>) target(%dma_start3A_228 : memref<1024x1024xf32, #tpu.memory_space<hbm>>) target_semaphore(%dma_start3A_224 : memref<!tpu.dma_semaphore, #tpu.memory_space<semaphore_mem>>)
    %dma_start3A_233 = arith.constant 0 : i32
    %dma_start3A_234 = arith.constant 1 : i32
    %dma_start3A_235 = arith.constant 0 : i32
    %dma_start3A_236 = tpu.memref_slice %arg5[%dma_start3A_235] : memref<2x!tpu.dma_semaphore, #tpu.memory_space<semaphore_mem>> -> memref<1x!tpu.dma_semaphore, #tpu.memory_space<semaphore_mem>>
    %dma_start3A_237 = tpu.memref_squeeze %dma_start3A_236 : memref<1x!tpu.dma_semaphore, #tpu.memory_space<semaphore_mem>> -> memref<!tpu.dma_semaphore, #tpu.memory_space<semaphore_mem>>
    %dma_start3A_238 = arith.constant 6144 : i32
    %dma_start3A_239 = arith.constant 0 : i32
    %dma_start3A_240 = tpu.memref_slice %arg2[%dma_start3A_234, %dma_start3A_238, %dma_start3A_239] : memref<4x8192x1024xf32, #tpu.memory_space<hbm>> -> memref<1x1024x1024xf32, #tpu.memory_space<hbm>>
    %dma_start3A_241 = tpu.memref_squeeze %dma_start3A_240 : memref<1x1024x1024xf32, #tpu.memory_space<hbm>> -> memref<1024x1024xf32, #tpu.memory_space<hbm>>
    %dma_start3A_242 = arith.constant 0 : i32
    %dma_start3A_243 = arith.constant 0 : i32
    %dma_start3A_244 = tpu.memref_slice %arg3[%dma_start3A_233, %dma_start3A_242, %dma_start3A_243] : memref<2x1024x1024xf32, #tpu.memory_space<vmem>> -> memref<1x1024x1024xf32, #tpu.memory_space<vmem>>
    %dma_start3A_245 = tpu.memref_squeeze %dma_start3A_244 : memref<1x1024x1024xf32, #tpu.memory_space<vmem>> -> memref<1024x1024xf32, #tpu.memory_space<vmem>>
    tpu.enqueue_dma source(%dma_start3A_245 : memref<1024x1024xf32, #tpu.memory_space<vmem>>) target(%dma_start3A_241 : memref<1024x1024xf32, #tpu.memory_space<hbm>>) target_semaphore(%dma_start3A_237 : memref<!tpu.dma_semaphore, #tpu.memory_space<semaphore_mem>>)
    %dma_start3A_246 = arith.constant 0 : i32
    %dma_start3A_247 = arith.constant 2 : i32
    %dma_start3A_248 = arith.constant 0 : i32
    %dma_start3A_249 = tpu.memref_slice %arg5[%dma_start3A_248] : memref<2x!tpu.dma_semaphore, #tpu.memory_space<semaphore_mem>> -> memref<1x!tpu.dma_semaphore, #tpu.memory_space<semaphore_mem>>
    %dma_start3A_250 = tpu.memref_squeeze %dma_start3A_249 : memref<1x!tpu.dma_semaphore, #tpu.memory_space<semaphore_mem>> -> memref<!tpu.dma_semaphore, #tpu.memory_space<semaphore_mem>>
    %dma_start3A_251 = arith.constant 6144 : i32
    %dma_start3A_252 = arith.constant 0 : i32
    %dma_start3A_253 = tpu.memref_slice %arg2[%dma_start3A_247, %dma_start3A_251, %dma_start3A_252] : memref<4x8192x1024xf32, #tpu.memory_space<hbm>> -> memref<1x1024x1024xf32, #tpu.memory_space<hbm>>
    %dma_start3A_254 = tpu.memref_squeeze %dma_start3A_253 : memref<1x1024x1024xf32, #tpu.memory_space<hbm>> -> memref<1024x1024xf32, #tpu.memory_space<hbm>>
    %dma_start3A_255 = arith.constant 0 : i32
    %dma_start3A_256 = arith.constant 0 : i32
    %dma_start3A_257 = tpu.memref_slice %arg3[%dma_start3A_246, %dma_start3A_255, %dma_start3A_256] : memref<2x1024x1024xf32, #tpu.memory_space<vmem>> -> memref<1x1024x1024xf32, #tpu.memory_space<vmem>>
    %dma_start3A_258 = tpu.memref_squeeze %dma_start3A_257 : memref<1x1024x1024xf32, #tpu.memory_space<vmem>> -> memref<1024x1024xf32, #tpu.memory_space<vmem>>
    tpu.enqueue_dma source(%dma_start3A_258 : memref<1024x1024xf32, #tpu.memory_space<vmem>>) target(%dma_start3A_254 : memref<1024x1024xf32, #tpu.memory_space<hbm>>) target_semaphore(%dma_start3A_250 : memref<!tpu.dma_semaphore, #tpu.memory_space<semaphore_mem>>)
    %dma_start3A_259 = arith.constant 0 : i32
    %dma_start3A_260 = arith.constant 3 : i32
    %dma_start3A_261 = arith.constant 0 : i32
    %dma_start3A_262 = tpu.memref_slice %arg5[%dma_start3A_261] : memref<2x!tpu.dma_semaphore, #tpu.memory_space<semaphore_mem>> -> memref<1x!tpu.dma_semaphore, #tpu.memory_space<semaphore_mem>>
    %dma_start3A_263 = tpu.memref_squeeze %dma_start3A_262 : memref<1x!tpu.dma_semaphore, #tpu.memory_space<semaphore_mem>> -> memref<!tpu.dma_semaphore, #tpu.memory_space<semaphore_mem>>
    %dma_start3A_264 = arith.constant 6144 : i32
    %dma_start3A_265 = arith.constant 0 : i32
    %dma_start3A_266 = tpu.memref_slice %arg2[%dma_start3A_260, %dma_start3A_264, %dma_start3A_265] : memref<4x8192x1024xf32, #tpu.memory_space<hbm>> -> memref<1x1024x1024xf32, #tpu.memory_space<hbm>>
    %dma_start3A_267 = tpu.memref_squeeze %dma_start3A_266 : memref<1x1024x1024xf32, #tpu.memory_space<hbm>> -> memref<1024x1024xf32, #tpu.memory_space<hbm>>
    %dma_start3A_268 = arith.constant 0 : i32
    %dma_start3A_269 = arith.constant 0 : i32
    %dma_start3A_270 = tpu.memref_slice %arg3[%dma_start3A_259, %dma_start3A_268, %dma_start3A_269] : memref<2x1024x1024xf32, #tpu.memory_space<vmem>> -> memref<1x1024x1024xf32, #tpu.memory_space<vmem>>
    %dma_start3A_271 = tpu.memref_squeeze %dma_start3A_270 : memref<1x1024x1024xf32, #tpu.memory_space<vmem>> -> memref<1024x1024xf32, #tpu.memory_space<vmem>>
    tpu.enqueue_dma source(%dma_start3A_271 : memref<1024x1024xf32, #tpu.memory_space<vmem>>) target(%dma_start3A_267 : memref<1024x1024xf32, #tpu.memory_space<hbm>>) target_semaphore(%dma_start3A_263 : memref<!tpu.dma_semaphore, #tpu.memory_space<semaphore_mem>>)
    %dma_wait3A_272 = arith.constant 1 : i32
    %dma_wait3A_273 = arith.constant 0 : i32
    %dma_wait3A_274 = arith.constant 1 : i32
    %dma_wait3A_275 = tpu.memref_slice %arg5[%dma_wait3A_274] : memref<2x!tpu.dma_semaphore, #tpu.memory_space<semaphore_mem>> -> memref<1x!tpu.dma_semaphore, #tpu.memory_space<semaphore_mem>>
    %dma_wait3A_276 = tpu.memref_squeeze %dma_wait3A_275 : memref<1x!tpu.dma_semaphore, #tpu.memory_space<semaphore_mem>> -> memref<!tpu.dma_semaphore, #tpu.memory_space<semaphore_mem>>
    %dma_wait3A_277 = arith.constant 5120 : i32
    %dma_wait3A_278 = arith.constant 0 : i32
    %dma_wait3A_279 = tpu.memref_slice %arg2[%dma_wait3A_273, %dma_wait3A_277, %dma_wait3A_278] : memref<4x8192x1024xf32, #tpu.memory_space<hbm>> -> memref<1x1024x1024xf32, #tpu.memory_space<hbm>>
    %dma_wait3A_280 = tpu.memref_squeeze %dma_wait3A_279 : memref<1x1024x1024xf32, #tpu.memory_space<hbm>> -> memref<1024x1024xf32, #tpu.memory_space<hbm>>
    %dma_wait3A_281 = arith.constant 0 : i32
    %dma_wait3A_282 = arith.constant 0 : i32
    %dma_wait3A_283 = tpu.memref_slice %arg3[%dma_wait3A_272, %dma_wait3A_281, %dma_wait3A_282] : memref<2x1024x1024xf32, #tpu.memory_space<vmem>> -> memref<1x1024x1024xf32, #tpu.memory_space<vmem>>
    %dma_wait3A_284 = tpu.memref_squeeze %dma_wait3A_283 : memref<1x1024x1024xf32, #tpu.memory_space<vmem>> -> memref<1024x1024xf32, #tpu.memory_space<vmem>>
    tpu.wait_dma2 semaphore(%dma_wait3A_276 : memref<!tpu.dma_semaphore, #tpu.memory_space<semaphore_mem>>) src(%dma_wait3A_284 : memref<1024x1024xf32, #tpu.memory_space<vmem>>) dst(%dma_wait3A_280 : memref<1024x1024xf32, #tpu.memory_space<hbm>>)
    %dma_wait3A_285 = arith.constant 1 : i32
    %dma_wait3A_286 = arith.constant 1 : i32
    %dma_wait3A_287 = arith.constant 1 : i32
    %dma_wait3A_288 = tpu.memref_slice %arg5[%dma_wait3A_287] : memref<2x!tpu.dma_semaphore, #tpu.memory_space<semaphore_mem>> -> memref<1x!tpu.dma_semaphore, #tpu.memory_space<semaphore_mem>>
    %dma_wait3A_289 = tpu.memref_squeeze %dma_wait3A_288 : memref<1x!tpu.dma_semaphore, #tpu.memory_space<semaphore_mem>> -> memref<!tpu.dma_semaphore, #tpu.memory_space<semaphore_mem>>
    %dma_wait3A_290 = arith.constant 5120 : i32
    %dma_wait3A_291 = arith.constant 0 : i32
    %dma_wait3A_292 = tpu.memref_slice %arg2[%dma_wait3A_286, %dma_wait3A_290, %dma_wait3A_291] : memref<4x8192x1024xf32, #tpu.memory_space<hbm>> -> memref<1x1024x1024xf32, #tpu.memory_space<hbm>>
    %dma_wait3A_293 = tpu.memref_squeeze %dma_wait3A_292 : memref<1x1024x1024xf32, #tpu.memory_space<hbm>> -> memref<1024x1024xf32, #tpu.memory_space<hbm>>
    %dma_wait3A_294 = arith.constant 0 : i32
    %dma_wait3A_295 = arith.constant 0 : i32
    %dma_wait3A_296 = tpu.memref_slice %arg3[%dma_wait3A_285, %dma_wait3A_294, %dma_wait3A_295] : memref<2x1024x1024xf32, #tpu.memory_space<vmem>> -> memref<1x1024x1024xf32, #tpu.memory_space<vmem>>
    %dma_wait3A_297 = tpu.memref_squeeze %dma_wait3A_296 : memref<1x1024x1024xf32, #tpu.memory_space<vmem>> -> memref<1024x1024xf32, #tpu.memory_space<vmem>>
    tpu.wait_dma2 semaphore(%dma_wait3A_289 : memref<!tpu.dma_semaphore, #tpu.memory_space<semaphore_mem>>) src(%dma_wait3A_297 : memref<1024x1024xf32, #tpu.memory_space<vmem>>) dst(%dma_wait3A_293 : memref<1024x1024xf32, #tpu.memory_space<hbm>>)
    %dma_wait3A_298 = arith.constant 1 : i32
    %dma_wait3A_299 = arith.constant 2 : i32
    %dma_wait3A_300 = arith.constant 1 : i32
    %dma_wait3A_301 = tpu.memref_slice %arg5[%dma_wait3A_300] : memref<2x!tpu.dma_semaphore, #tpu.memory_space<semaphore_mem>> -> memref<1x!tpu.dma_semaphore, #tpu.memory_space<semaphore_mem>>
    %dma_wait3A_302 = tpu.memref_squeeze %dma_wait3A_301 : memref<1x!tpu.dma_semaphore, #tpu.memory_space<semaphore_mem>> -> memref<!tpu.dma_semaphore, #tpu.memory_space<semaphore_mem>>
    %dma_wait3A_303 = arith.constant 5120 : i32
    %dma_wait3A_304 = arith.constant 0 : i32
    %dma_wait3A_305 = tpu.memref_slice %arg2[%dma_wait3A_299, %dma_wait3A_303, %dma_wait3A_304] : memref<4x8192x1024xf32, #tpu.memory_space<hbm>> -> memref<1x1024x1024xf32, #tpu.memory_space<hbm>>
    %dma_wait3A_306 = tpu.memref_squeeze %dma_wait3A_305 : memref<1x1024x1024xf32, #tpu.memory_space<hbm>> -> memref<1024x1024xf32, #tpu.memory_space<hbm>>
    %dma_wait3A_307 = arith.constant 0 : i32
    %dma_wait3A_308 = arith.constant 0 : i32
    %dma_wait3A_309 = tpu.memref_slice %arg3[%dma_wait3A_298, %dma_wait3A_307, %dma_wait3A_308] : memref<2x1024x1024xf32, #tpu.memory_space<vmem>> -> memref<1x1024x1024xf32, #tpu.memory_space<vmem>>
    %dma_wait3A_310 = tpu.memref_squeeze %dma_wait3A_309 : memref<1x1024x1024xf32, #tpu.memory_space<vmem>> -> memref<1024x1024xf32, #tpu.memory_space<vmem>>
    tpu.wait_dma2 semaphore(%dma_wait3A_302 : memref<!tpu.dma_semaphore, #tpu.memory_space<semaphore_mem>>) src(%dma_wait3A_310 : memref<1024x1024xf32, #tpu.memory_space<vmem>>) dst(%dma_wait3A_306 : memref<1024x1024xf32, #tpu.memory_space<hbm>>)
    %dma_wait3A_311 = arith.constant 1 : i32
    %dma_wait3A_312 = arith.constant 3 : i32
    %dma_wait3A_313 = arith.constant 1 : i32
    %dma_wait3A_314 = tpu.memref_slice %arg5[%dma_wait3A_313] : memref<2x!tpu.dma_semaphore, #tpu.memory_space<semaphore_mem>> -> memref<1x!tpu.dma_semaphore, #tpu.memory_space<semaphore_mem>>
    %dma_wait3A_315 = tpu.memref_squeeze %dma_wait3A_314 : memref<1x!tpu.dma_semaphore, #tpu.memory_space<semaphore_mem>> -> memref<!tpu.dma_semaphore, #tpu.memory_space<semaphore_mem>>
    %dma_wait3A_316 = arith.constant 5120 : i32
    %dma_wait3A_317 = arith.constant 0 : i32
    %dma_wait3A_318 = tpu.memref_slice %arg2[%dma_wait3A_312, %dma_wait3A_316, %dma_wait3A_317] : memref<4x8192x1024xf32, #tpu.memory_space<hbm>> -> memref<1x1024x1024xf32, #tpu.memory_space<hbm>>
    %dma_wait3A_319 = tpu.memref_squeeze %dma_wait3A_318 : memref<1x1024x1024xf32, #tpu.memory_space<hbm>> -> memref<1024x1024xf32, #tpu.memory_space<hbm>>
    %dma_wait3A_320 = arith.constant 0 : i32
    %dma_wait3A_321 = arith.constant 0 : i32
    %dma_wait3A_322 = tpu.memref_slice %arg3[%dma_wait3A_311, %dma_wait3A_320, %dma_wait3A_321] : memref<2x1024x1024xf32, #tpu.memory_space<vmem>> -> memref<1x1024x1024xf32, #tpu.memory_space<vmem>>
    %dma_wait3A_323 = tpu.memref_squeeze %dma_wait3A_322 : memref<1x1024x1024xf32, #tpu.memory_space<vmem>> -> memref<1024x1024xf32, #tpu.memory_space<vmem>>
    tpu.wait_dma2 semaphore(%dma_wait3A_315 : memref<!tpu.dma_semaphore, #tpu.memory_space<semaphore_mem>>) src(%dma_wait3A_323 : memref<1024x1024xf32, #tpu.memory_space<vmem>>) dst(%dma_wait3A_319 : memref<1024x1024xf32, #tpu.memory_space<hbm>>)
    %dma_start3A_324 = arith.constant 1 : i32
    %dma_start3A_325 = arith.constant 1 : i32
    %dma_start3A_326 = tpu.memref_slice %arg4[%dma_start3A_325] : memref<2x!tpu.dma_semaphore, #tpu.memory_space<semaphore_mem>> -> memref<1x!tpu.dma_semaphore, #tpu.memory_space<semaphore_mem>>
    %dma_start3A_327 = tpu.memref_squeeze %dma_start3A_326 : memref<1x!tpu.dma_semaphore, #tpu.memory_space<semaphore_mem>> -> memref<!tpu.dma_semaphore, #tpu.memory_space<semaphore_mem>>
    %dma_start3A_328 = arith.constant 0 : i32
    %dma_start3A_329 = arith.constant 0 : i32
    %dma_start3A_330 = tpu.memref_slice %arg3[%dma_start3A_324, %dma_start3A_328, %dma_start3A_329] : memref<2x1024x1024xf32, #tpu.memory_space<vmem>> -> memref<1x1024x1024xf32, #tpu.memory_space<vmem>>
    %dma_start3A_331 = tpu.memref_squeeze %dma_start3A_330 : memref<1x1024x1024xf32, #tpu.memory_space<vmem>> -> memref<1024x1024xf32, #tpu.memory_space<vmem>>
    %dma_start3A_332 = arith.constant 7168 : i32
    %dma_start3A_333 = arith.constant 0 : i32
    %dma_start3A_334 = tpu.memref_slice %arg0[%dma_start3A_332, %dma_start3A_333] : memref<8192x1024xf32, #tpu.memory_space<hbm>> -> memref<1024x1024xf32, #tpu.memory_space<hbm>>
    tpu.enqueue_dma source(%dma_start3A_334 : memref<1024x1024xf32, #tpu.memory_space<hbm>>) target(%dma_start3A_331 : memref<1024x1024xf32, #tpu.memory_space<vmem>>) target_semaphore(%dma_start3A_327 : memref<!tpu.dma_semaphore, #tpu.memory_space<semaphore_mem>>)
    %dma_wait3A_335 = arith.constant 1 : i32
    %dma_wait3A_336 = arith.constant 1 : i32
    %dma_wait3A_337 = tpu.memref_slice %arg4[%dma_wait3A_336] : memref<2x!tpu.dma_semaphore, #tpu.memory_space<semaphore_mem>> -> memref<1x!tpu.dma_semaphore, #tpu.memory_space<semaphore_mem>>
    %dma_wait3A_338 = tpu.memref_squeeze %dma_wait3A_337 : memref<1x!tpu.dma_semaphore, #tpu.memory_space<semaphore_mem>> -> memref<!tpu.dma_semaphore, #tpu.memory_space<semaphore_mem>>
    %dma_wait3A_339 = arith.constant 0 : i32
    %dma_wait3A_340 = arith.constant 0 : i32
    %dma_wait3A_341 = tpu.memref_slice %arg3[%dma_wait3A_335, %dma_wait3A_339, %dma_wait3A_340] : memref<2x1024x1024xf32, #tpu.memory_space<vmem>> -> memref<1x1024x1024xf32, #tpu.memory_space<vmem>>
    %dma_wait3A_342 = tpu.memref_squeeze %dma_wait3A_341 : memref<1x1024x1024xf32, #tpu.memory_space<vmem>> -> memref<1024x1024xf32, #tpu.memory_space<vmem>>
    %dma_wait3A_343 = arith.constant 7168 : i32
    %dma_wait3A_344 = arith.constant 0 : i32
    %dma_wait3A_345 = tpu.memref_slice %arg0[%dma_wait3A_343, %dma_wait3A_344] : memref<8192x1024xf32, #tpu.memory_space<hbm>> -> memref<1024x1024xf32, #tpu.memory_space<hbm>>
    tpu.wait_dma2 semaphore(%dma_wait3A_338 : memref<!tpu.dma_semaphore, #tpu.memory_space<semaphore_mem>>) src(%dma_wait3A_345 : memref<1024x1024xf32, #tpu.memory_space<hbm>>) dst(%dma_wait3A_342 : memref<1024x1024xf32, #tpu.memory_space<vmem>>)
    %dma_start3A_346 = arith.constant 1 : i32
    %dma_start3A_347 = arith.constant 0 : i32
    %dma_start3A_348 = arith.constant 1 : i32
    %dma_start3A_349 = tpu.memref_slice %arg5[%dma_start3A_348] : memref<2x!tpu.dma_semaphore, #tpu.memory_space<semaphore_mem>> -> memref<1x!tpu.dma_semaphore, #tpu.memory_space<semaphore_mem>>
    %dma_start3A_350 = tpu.memref_squeeze %dma_start3A_349 : memref<1x!tpu.dma_semaphore, #tpu.memory_space<semaphore_mem>> -> memref<!tpu.dma_semaphore, #tpu.memory_space<semaphore_mem>>
    %dma_start3A_351 = arith.constant 7168 : i32
    %dma_start3A_352 = arith.constant 0 : i32
    %dma_start3A_353 = tpu.memref_slice %arg2[%dma_start3A_347, %dma_start3A_351, %dma_start3A_352] : memref<4x8192x1024xf32, #tpu.memory_space<hbm>> -> memref<1x1024x1024xf32, #tpu.memory_space<hbm>>
    %dma_start3A_354 = tpu.memref_squeeze %dma_start3A_353 : memref<1x1024x1024xf32, #tpu.memory_space<hbm>> -> memref<1024x1024xf32, #tpu.memory_space<hbm>>
    %dma_start3A_355 = arith.constant 0 : i32
    %dma_start3A_356 = arith.constant 0 : i32
    %dma_start3A_357 = tpu.memref_slice %arg3[%dma_start3A_346, %dma_start3A_355, %dma_start3A_356] : memref<2x1024x1024xf32, #tpu.memory_space<vmem>> -> memref<1x1024x1024xf32, #tpu.memory_space<vmem>>
    %dma_start3A_358 = tpu.memref_squeeze %dma_start3A_357 : memref<1x1024x1024xf32, #tpu.memory_space<vmem>> -> memref<1024x1024xf32, #tpu.memory_space<vmem>>
    tpu.enqueue_dma source(%dma_start3A_358 : memref<1024x1024xf32, #tpu.memory_space<vmem>>) target(%dma_start3A_354 : memref<1024x1024xf32, #tpu.memory_space<hbm>>) target_semaphore(%dma_start3A_350 : memref<!tpu.dma_semaphore, #tpu.memory_space<semaphore_mem>>)
    %dma_start3A_359 = arith.constant 1 : i32
    %dma_start3A_360 = arith.constant 1 : i32
    %dma_start3A_361 = arith.constant 1 : i32
    %dma_start3A_362 = tpu.memref_slice %arg5[%dma_start3A_361] : memref<2x!tpu.dma_semaphore, #tpu.memory_space<semaphore_mem>> -> memref<1x!tpu.dma_semaphore, #tpu.memory_space<semaphore_mem>>
    %dma_start3A_363 = tpu.memref_squeeze %dma_start3A_362 : memref<1x!tpu.dma_semaphore, #tpu.memory_space<semaphore_mem>> -> memref<!tpu.dma_semaphore, #tpu.memory_space<semaphore_mem>>
    %dma_start3A_364 = arith.constant 7168 : i32
    %dma_start3A_365 = arith.constant 0 : i32
    %dma_start3A_366 = tpu.memref_slice %arg2[%dma_start3A_360, %dma_start3A_364, %dma_start3A_365] : memref<4x8192x1024xf32, #tpu.memory_space<hbm>> -> memref<1x1024x1024xf32, #tpu.memory_space<hbm>>
    %dma_start3A_367 = tpu.memref_squeeze %dma_start3A_366 : memref<1x1024x1024xf32, #tpu.memory_space<hbm>> -> memref<1024x1024xf32, #tpu.memory_space<hbm>>
    %dma_start3A_368 = arith.constant 0 : i32
    %dma_start3A_369 = arith.constant 0 : i32
    %dma_start3A_370 = tpu.memref_slice %arg3[%dma_start3A_359, %dma_start3A_368, %dma_start3A_369] : memref<2x1024x1024xf32, #tpu.memory_space<vmem>> -> memref<1x1024x1024xf32, #tpu.memory_space<vmem>>
    %dma_start3A_371 = tpu.memref_squeeze %dma_start3A_370 : memref<1x1024x1024xf32, #tpu.memory_space<vmem>> -> memref<1024x1024xf32, #tpu.memory_space<vmem>>
    tpu.enqueue_dma source(%dma_start3A_371 : memref<1024x1024xf32, #tpu.memory_space<vmem>>) target(%dma_start3A_367 : memref<1024x1024xf32, #tpu.memory_space<hbm>>) target_semaphore(%dma_start3A_363 : memref<!tpu.dma_semaphore, #tpu.memory_space<semaphore_mem>>)
    %dma_start3A_372 = arith.constant 1 : i32
    %dma_start3A_373 = arith.constant 2 : i32
    %dma_start3A_374 = arith.constant 1 : i32
    %dma_start3A_375 = tpu.memref_slice %arg5[%dma_start3A_374] : memref<2x!tpu.dma_semaphore, #tpu.memory_space<semaphore_mem>> -> memref<1x!tpu.dma_semaphore, #tpu.memory_space<semaphore_mem>>
    %dma_start3A_376 = tpu.memref_squeeze %dma_start3A_375 : memref<1x!tpu.dma_semaphore, #tpu.memory_space<semaphore_mem>> -> memref<!tpu.dma_semaphore, #tpu.memory_space<semaphore_mem>>
    %dma_start3A_377 = arith.constant 7168 : i32
    %dma_start3A_378 = arith.constant 0 : i32
    %dma_start3A_379 = tpu.memref_slice %arg2[%dma_start3A_373, %dma_start3A_377, %dma_start3A_378] : memref<4x8192x1024xf32, #tpu.memory_space<hbm>> -> memref<1x1024x1024xf32, #tpu.memory_space<hbm>>
    %dma_start3A_380 = tpu.memref_squeeze %dma_start3A_379 : memref<1x1024x1024xf32, #tpu.memory_space<hbm>> -> memref<1024x1024xf32, #tpu.memory_space<hbm>>
    %dma_start3A_381 = arith.constant 0 : i32
    %dma_start3A_382 = arith.constant 0 : i32
    %dma_start3A_383 = tpu.memref_slice %arg3[%dma_start3A_372, %dma_start3A_381, %dma_start3A_382] : memref<2x1024x1024xf32, #tpu.memory_space<vmem>> -> memref<1x1024x1024xf32, #tpu.memory_space<vmem>>
    %dma_start3A_384 = tpu.memref_squeeze %dma_start3A_383 : memref<1x1024x1024xf32, #tpu.memory_space<vmem>> -> memref<1024x1024xf32, #tpu.memory_space<vmem>>
    tpu.enqueue_dma source(%dma_start3A_384 : memref<1024x1024xf32, #tpu.memory_space<vmem>>) target(%dma_start3A_380 : memref<1024x1024xf32, #tpu.memory_space<hbm>>) target_semaphore(%dma_start3A_376 : memref<!tpu.dma_semaphore, #tpu.memory_space<semaphore_mem>>)
    %dma_start3A_385 = arith.constant 1 : i32
    %dma_start3A_386 = arith.constant 3 : i32
    %dma_start3A_387 = arith.constant 1 : i32
    %dma_start3A_388 = tpu.memref_slice %arg5[%dma_start3A_387] : memref<2x!tpu.dma_semaphore, #tpu.memory_space<semaphore_mem>> -> memref<1x!tpu.dma_semaphore, #tpu.memory_space<semaphore_mem>>
    %dma_start3A_389 = tpu.memref_squeeze %dma_start3A_388 : memref<1x!tpu.dma_semaphore, #tpu.memory_space<semaphore_mem>> -> memref<!tpu.dma_semaphore, #tpu.memory_space<semaphore_mem>>
    %dma_start3A_390 = arith.constant 7168 : i32
    %dma_start3A_391 = arith.constant 0 : i32
    %dma_start3A_392 = tpu.memref_slice %arg2[%dma_start3A_386, %dma_start3A_390, %dma_start3A_391] : memref<4x8192x1024xf32, #tpu.memory_space<hbm>> -> memref<1x1024x1024xf32, #tpu.memory_space<hbm>>
    %dma_start3A_393 = tpu.memref_squeeze %dma_start3A_392 : memref<1x1024x1024xf32, #tpu.memory_space<hbm>> -> memref<1024x1024xf32, #tpu.memory_space<hbm>>
    %dma_start3A_394 = arith.constant 0 : i32
    %dma_start3A_395 = arith.constant 0 : i32
    %dma_start3A_396 = tpu.memref_slice %arg3[%dma_start3A_385, %dma_start3A_394, %dma_start3A_395] : memref<2x1024x1024xf32, #tpu.memory_space<vmem>> -> memref<1x1024x1024xf32, #tpu.memory_space<vmem>>
    %dma_start3A_397 = tpu.memref_squeeze %dma_start3A_396 : memref<1x1024x1024xf32, #tpu.memory_space<vmem>> -> memref<1024x1024xf32, #tpu.memory_space<vmem>>
    tpu.enqueue_dma source(%dma_start3A_397 : memref<1024x1024xf32, #tpu.memory_space<vmem>>) target(%dma_start3A_393 : memref<1024x1024xf32, #tpu.memory_space<hbm>>) target_semaphore(%dma_start3A_389 : memref<!tpu.dma_semaphore, #tpu.memory_space<semaphore_mem>>)
    %dma_wait3A_398 = arith.constant 0 : i32
    %dma_wait3A_399 = arith.constant 0 : i32
    %dma_wait3A_400 = arith.constant 0 : i32
    %dma_wait3A_401 = tpu.memref_slice %arg5[%dma_wait3A_400] : memref<2x!tpu.dma_semaphore, #tpu.memory_space<semaphore_mem>> -> memref<1x!tpu.dma_semaphore, #tpu.memory_space<semaphore_mem>>
    %dma_wait3A_402 = tpu.memref_squeeze %dma_wait3A_401 : memref<1x!tpu.dma_semaphore, #tpu.memory_space<semaphore_mem>> -> memref<!tpu.dma_semaphore, #tpu.memory_space<semaphore_mem>>
    %dma_wait3A_403 = arith.constant 6144 : i32
    %dma_wait3A_404 = arith.constant 0 : i32
    %dma_wait3A_405 = tpu.memref_slice %arg2[%dma_wait3A_399, %dma_wait3A_403, %dma_wait3A_404] : memref<4x8192x1024xf32, #tpu.memory_space<hbm>> -> memref<1x1024x1024xf32, #tpu.memory_space<hbm>>
    %dma_wait3A_406 = tpu.memref_squeeze %dma_wait3A_405 : memref<1x1024x1024xf32, #tpu.memory_space<hbm>> -> memref<1024x1024xf32, #tpu.memory_space<hbm>>
    %dma_wait3A_407 = arith.constant 0 : i32
    %dma_wait3A_408 = arith.constant 0 : i32
    %dma_wait3A_409 = tpu.memref_slice %arg3[%dma_wait3A_398, %dma_wait3A_407, %dma_wait3A_408] : memref<2x1024x1024xf32, #tpu.memory_space<vmem>> -> memref<1x1024x1024xf32, #tpu.memory_space<vmem>>
    %dma_wait3A_410 = tpu.memref_squeeze %dma_wait3A_409 : memref<1x1024x1024xf32, #tpu.memory_space<vmem>> -> memref<1024x1024xf32, #tpu.memory_space<vmem>>
    tpu.wait_dma2 semaphore(%dma_wait3A_402 : memref<!tpu.dma_semaphore, #tpu.memory_space<semaphore_mem>>) src(%dma_wait3A_410 : memref<1024x1024xf32, #tpu.memory_space<vmem>>) dst(%dma_wait3A_406 : memref<1024x1024xf32, #tpu.memory_space<hbm>>)
    %dma_wait3A_411 = arith.constant 0 : i32
    %dma_wait3A_412 = arith.constant 1 : i32
    %dma_wait3A_413 = arith.constant 0 : i32
    %dma_wait3A_414 = tpu.memref_slice %arg5[%dma_wait3A_413] : memref<2x!tpu.dma_semaphore, #tpu.memory_space<semaphore_mem>> -> memref<1x!tpu.dma_semaphore, #tpu.memory_space<semaphore_mem>>
    %dma_wait3A_415 = tpu.memref_squeeze %dma_wait3A_414 : memref<1x!tpu.dma_semaphore, #tpu.memory_space<semaphore_mem>> -> memref<!tpu.dma_semaphore, #tpu.memory_space<semaphore_mem>>
    %dma_wait3A_416 = arith.constant 6144 : i32
    %dma_wait3A_417 = arith.constant 0 : i32
    %dma_wait3A_418 = tpu.memref_slice %arg2[%dma_wait3A_412, %dma_wait3A_416, %dma_wait3A_417] : memref<4x8192x1024xf32, #tpu.memory_space<hbm>> -> memref<1x1024x1024xf32, #tpu.memory_space<hbm>>
    %dma_wait3A_419 = tpu.memref_squeeze %dma_wait3A_418 : memref<1x1024x1024xf32, #tpu.memory_space<hbm>> -> memref<1024x1024xf32, #tpu.memory_space<hbm>>
    %dma_wait3A_420 = arith.constant 0 : i32
    %dma_wait3A_421 = arith.constant 0 : i32
    %dma_wait3A_422 = tpu.memref_slice %arg3[%dma_wait3A_411, %dma_wait3A_420, %dma_wait3A_421] : memref<2x1024x1024xf32, #tpu.memory_space<vmem>> -> memref<1x1024x1024xf32, #tpu.memory_space<vmem>>
    %dma_wait3A_423 = tpu.memref_squeeze %dma_wait3A_422 : memref<1x1024x1024xf32, #tpu.memory_space<vmem>> -> memref<1024x1024xf32, #tpu.memory_space<vmem>>
    tpu.wait_dma2 semaphore(%dma_wait3A_415 : memref<!tpu.dma_semaphore, #tpu.memory_space<semaphore_mem>>) src(%dma_wait3A_423 : memref<1024x1024xf32, #tpu.memory_space<vmem>>) dst(%dma_wait3A_419 : memref<1024x1024xf32, #tpu.memory_space<hbm>>)
    %dma_wait3A_424 = arith.constant 0 : i32
    %dma_wait3A_425 = arith.constant 2 : i32
    %dma_wait3A_426 = arith.constant 0 : i32
    %dma_wait3A_427 = tpu.memref_slice %arg5[%dma_wait3A_426] : memref<2x!tpu.dma_semaphore, #tpu.memory_space<semaphore_mem>> -> memref<1x!tpu.dma_semaphore, #tpu.memory_space<semaphore_mem>>
    %dma_wait3A_428 = tpu.memref_squeeze %dma_wait3A_427 : memref<1x!tpu.dma_semaphore, #tpu.memory_space<semaphore_mem>> -> memref<!tpu.dma_semaphore, #tpu.memory_space<semaphore_mem>>
    %dma_wait3A_429 = arith.constant 6144 : i32
    %dma_wait3A_430 = arith.constant 0 : i32
    %dma_wait3A_431 = tpu.memref_slice %arg2[%dma_wait3A_425, %dma_wait3A_429, %dma_wait3A_430] : memref<4x8192x1024xf32, #tpu.memory_space<hbm>> -> memref<1x1024x1024xf32, #tpu.memory_space<hbm>>
    %dma_wait3A_432 = tpu.memref_squeeze %dma_wait3A_431 : memref<1x1024x1024xf32, #tpu.memory_space<hbm>> -> memref<1024x1024xf32, #tpu.memory_space<hbm>>
    %dma_wait3A_433 = arith.constant 0 : i32
    %dma_wait3A_434 = arith.constant 0 : i32
    %dma_wait3A_435 = tpu.memref_slice %arg3[%dma_wait3A_424, %dma_wait3A_433, %dma_wait3A_434] : memref<2x1024x1024xf32, #tpu.memory_space<vmem>> -> memref<1x1024x1024xf32, #tpu.memory_space<vmem>>
    %dma_wait3A_436 = tpu.memref_squeeze %dma_wait3A_435 : memref<1x1024x1024xf32, #tpu.memory_space<vmem>> -> memref<1024x1024xf32, #tpu.memory_space<vmem>>
    tpu.wait_dma2 semaphore(%dma_wait3A_428 : memref<!tpu.dma_semaphore, #tpu.memory_space<semaphore_mem>>) src(%dma_wait3A_436 : memref<1024x1024xf32, #tpu.memory_space<vmem>>) dst(%dma_wait3A_432 : memref<1024x1024xf32, #tpu.memory_space<hbm>>)
    %dma_wait3A_437 = arith.constant 0 : i32
    %dma_wait3A_438 = arith.constant 3 : i32
    %dma_wait3A_439 = arith.constant 0 : i32
    %dma_wait3A_440 = tpu.memref_slice %arg5[%dma_wait3A_439] : memref<2x!tpu.dma_semaphore, #tpu.memory_space<semaphore_mem>> -> memref<1x!tpu.dma_semaphore, #tpu.memory_space<semaphore_mem>>
    %dma_wait3A_441 = tpu.memref_squeeze %dma_wait3A_440 : memref<1x!tpu.dma_semaphore, #tpu.memory_space<semaphore_mem>> -> memref<!tpu.dma_semaphore, #tpu.memory_space<semaphore_mem>>
    %dma_wait3A_442 = arith.constant 6144 : i32
    %dma_wait3A_443 = arith.constant 0 : i32
    %dma_wait3A_444 = tpu.memref_slice %arg2[%dma_wait3A_438, %dma_wait3A_442, %dma_wait3A_443] : memref<4x8192x1024xf32, #tpu.memory_space<hbm>> -> memref<1x1024x1024xf32, #tpu.memory_space<hbm>>
    %dma_wait3A_445 = tpu.memref_squeeze %dma_wait3A_444 : memref<1x1024x1024xf32, #tpu.memory_space<hbm>> -> memref<1024x1024xf32, #tpu.memory_space<hbm>>
    %dma_wait3A_446 = arith.constant 0 : i32
    %dma_wait3A_447 = arith.constant 0 : i32
    %dma_wait3A_448 = tpu.memref_slice %arg3[%dma_wait3A_437, %dma_wait3A_446, %dma_wait3A_447] : memref<2x1024x1024xf32, #tpu.memory_space<vmem>> -> memref<1x1024x1024xf32, #tpu.memory_space<vmem>>
    %dma_wait3A_449 = tpu.memref_squeeze %dma_wait3A_448 : memref<1x1024x1024xf32, #tpu.memory_space<vmem>> -> memref<1024x1024xf32, #tpu.memory_space<vmem>>
    tpu.wait_dma2 semaphore(%dma_wait3A_441 : memref<!tpu.dma_semaphore, #tpu.memory_space<semaphore_mem>>) src(%dma_wait3A_449 : memref<1024x1024xf32, #tpu.memory_space<vmem>>) dst(%dma_wait3A_445 : memref<1024x1024xf32, #tpu.memory_space<hbm>>)
    %dma_wait3A_450 = arith.constant 1 : i32
    %dma_wait3A_451 = arith.constant 0 : i32
    %dma_wait3A_452 = arith.constant 1 : i32
    %dma_wait3A_453 = tpu.memref_slice %arg5[%dma_wait3A_452] : memref<2x!tpu.dma_semaphore, #tpu.memory_space<semaphore_mem>> -> memref<1x!tpu.dma_semaphore, #tpu.memory_space<semaphore_mem>>
    %dma_wait3A_454 = tpu.memref_squeeze %dma_wait3A_453 : memref<1x!tpu.dma_semaphore, #tpu.memory_space<semaphore_mem>> -> memref<!tpu.dma_semaphore, #tpu.memory_space<semaphore_mem>>
    %dma_wait3A_455 = arith.constant 7168 : i32
    %dma_wait3A_456 = arith.constant 0 : i32
    %dma_wait3A_457 = tpu.memref_slice %arg2[%dma_wait3A_451, %dma_wait3A_455, %dma_wait3A_456] : memref<4x8192x1024xf32, #tpu.memory_space<hbm>> -> memref<1x1024x1024xf32, #tpu.memory_space<hbm>>
    %dma_wait3A_458 = tpu.memref_squeeze %dma_wait3A_457 : memref<1x1024x1024xf32, #tpu.memory_space<hbm>> -> memref<1024x1024xf32, #tpu.memory_space<hbm>>
    %dma_wait3A_459 = arith.constant 0 : i32
    %dma_wait3A_460 = arith.constant 0 : i32
    %dma_wait3A_461 = tpu.memref_slice %arg3[%dma_wait3A_450, %dma_wait3A_459, %dma_wait3A_460] : memref<2x1024x1024xf32, #tpu.memory_space<vmem>> -> memref<1x1024x1024xf32, #tpu.memory_space<vmem>>
    %dma_wait3A_462 = tpu.memref_squeeze %dma_wait3A_461 : memref<1x1024x1024xf32, #tpu.memory_space<vmem>> -> memref<1024x1024xf32, #tpu.memory_space<vmem>>
    tpu.wait_dma2 semaphore(%dma_wait3A_454 : memref<!tpu.dma_semaphore, #tpu.memory_space<semaphore_mem>>) src(%dma_wait3A_462 : memref<1024x1024xf32, #tpu.memory_space<vmem>>) dst(%dma_wait3A_458 : memref<1024x1024xf32, #tpu.memory_space<hbm>>)
    %dma_wait3A_463 = arith.constant 1 : i32
    %dma_wait3A_464 = arith.constant 1 : i32
    %dma_wait3A_465 = arith.constant 1 : i32
    %dma_wait3A_466 = tpu.memref_slice %arg5[%dma_wait3A_465] : memref<2x!tpu.dma_semaphore, #tpu.memory_space<semaphore_mem>> -> memref<1x!tpu.dma_semaphore, #tpu.memory_space<semaphore_mem>>
    %dma_wait3A_467 = tpu.memref_squeeze %dma_wait3A_466 : memref<1x!tpu.dma_semaphore, #tpu.memory_space<semaphore_mem>> -> memref<!tpu.dma_semaphore, #tpu.memory_space<semaphore_mem>>
    %dma_wait3A_468 = arith.constant 7168 : i32
    %dma_wait3A_469 = arith.constant 0 : i32
    %dma_wait3A_470 = tpu.memref_slice %arg2[%dma_wait3A_464, %dma_wait3A_468, %dma_wait3A_469] : memref<4x8192x1024xf32, #tpu.memory_space<hbm>> -> memref<1x1024x1024xf32, #tpu.memory_space<hbm>>
    %dma_wait3A_471 = tpu.memref_squeeze %dma_wait3A_470 : memref<1x1024x1024xf32, #tpu.memory_space<hbm>> -> memref<1024x1024xf32, #tpu.memory_space<hbm>>
    %dma_wait3A_472 = arith.constant 0 : i32
    %dma_wait3A_473 = arith.constant 0 : i32
    %dma_wait3A_474 = tpu.memref_slice %arg3[%dma_wait3A_463, %dma_wait3A_472, %dma_wait3A_473] : memref<2x1024x1024xf32, #tpu.memory_space<vmem>> -> memref<1x1024x1024xf32, #tpu.memory_space<vmem>>
    %dma_wait3A_475 = tpu.memref_squeeze %dma_wait3A_474 : memref<1x1024x1024xf32, #tpu.memory_space<vmem>> -> memref<1024x1024xf32, #tpu.memory_space<vmem>>
    tpu.wait_dma2 semaphore(%dma_wait3A_467 : memref<!tpu.dma_semaphore, #tpu.memory_space<semaphore_mem>>) src(%dma_wait3A_475 : memref<1024x1024xf32, #tpu.memory_space<vmem>>) dst(%dma_wait3A_471 : memref<1024x1024xf32, #tpu.memory_space<hbm>>)
    %dma_wait3A_476 = arith.constant 1 : i32
    %dma_wait3A_477 = arith.constant 2 : i32
    %dma_wait3A_478 = arith.constant 1 : i32
    %dma_wait3A_479 = tpu.memref_slice %arg5[%dma_wait3A_478] : memref<2x!tpu.dma_semaphore, #tpu.memory_space<semaphore_mem>> -> memref<1x!tpu.dma_semaphore, #tpu.memory_space<semaphore_mem>>
    %dma_wait3A_480 = tpu.memref_squeeze %dma_wait3A_479 : memref<1x!tpu.dma_semaphore, #tpu.memory_space<semaphore_mem>> -> memref<!tpu.dma_semaphore, #tpu.memory_space<semaphore_mem>>
    %dma_wait3A_481 = arith.constant 7168 : i32
    %dma_wait3A_482 = arith.constant 0 : i32
    %dma_wait3A_483 = tpu.memref_slice %arg2[%dma_wait3A_477, %dma_wait3A_481, %dma_wait3A_482] : memref<4x8192x1024xf32, #tpu.memory_space<hbm>> -> memref<1x1024x1024xf32, #tpu.memory_space<hbm>>
    %dma_wait3A_484 = tpu.memref_squeeze %dma_wait3A_483 : memref<1x1024x1024xf32, #tpu.memory_space<hbm>> -> memref<1024x1024xf32, #tpu.memory_space<hbm>>
    %dma_wait3A_485 = arith.constant 0 : i32
    %dma_wait3A_486 = arith.constant 0 : i32
    %dma_wait3A_487 = tpu.memref_slice %arg3[%dma_wait3A_476, %dma_wait3A_485, %dma_wait3A_486] : memref<2x1024x1024xf32, #tpu.memory_space<vmem>> -> memref<1x1024x1024xf32, #tpu.memory_space<vmem>>
    %dma_wait3A_488 = tpu.memref_squeeze %dma_wait3A_487 : memref<1x1024x1024xf32, #tpu.memory_space<vmem>> -> memref<1024x1024xf32, #tpu.memory_space<vmem>>
    tpu.wait_dma2 semaphore(%dma_wait3A_480 : memref<!tpu.dma_semaphore, #tpu.memory_space<semaphore_mem>>) src(%dma_wait3A_488 : memref<1024x1024xf32, #tpu.memory_space<vmem>>) dst(%dma_wait3A_484 : memref<1024x1024xf32, #tpu.memory_space<hbm>>)
    %dma_wait3A_489 = arith.constant 1 : i32
    %dma_wait3A_490 = arith.constant 3 : i32
    %dma_wait3A_491 = arith.constant 1 : i32
    %dma_wait3A_492 = tpu.memref_slice %arg5[%dma_wait3A_491] : memref<2x!tpu.dma_semaphore, #tpu.memory_space<semaphore_mem>> -> memref<1x!tpu.dma_semaphore, #tpu.memory_space<semaphore_mem>>
    %dma_wait3A_493 = tpu.memref_squeeze %dma_wait3A_492 : memref<1x!tpu.dma_semaphore, #tpu.memory_space<semaphore_mem>> -> memref<!tpu.dma_semaphore, #tpu.memory_space<semaphore_mem>>
    %dma_wait3A_494 = arith.constant 7168 : i32
    %dma_wait3A_495 = arith.constant 0 : i32
    %dma_wait3A_496 = tpu.memref_slice %arg2[%dma_wait3A_490, %dma_wait3A_494, %dma_wait3A_495] : memref<4x8192x1024xf32, #tpu.memory_space<hbm>> -> memref<1x1024x1024xf32, #tpu.memory_space<hbm>>
    %dma_wait3A_497 = tpu.memref_squeeze %dma_wait3A_496 : memref<1x1024x1024xf32, #tpu.memory_space<hbm>> -> memref<1024x1024xf32, #tpu.memory_space<hbm>>
    %dma_wait3A_498 = arith.constant 0 : i32
    %dma_wait3A_499 = arith.constant 0 : i32
    %dma_wait3A_500 = tpu.memref_slice %arg3[%dma_wait3A_489, %dma_wait3A_498, %dma_wait3A_499] : memref<2x1024x1024xf32, #tpu.memory_space<vmem>> -> memref<1x1024x1024xf32, #tpu.memory_space<vmem>>
    %dma_wait3A_501 = tpu.memref_squeeze %dma_wait3A_500 : memref<1x1024x1024xf32, #tpu.memory_space<vmem>> -> memref<1024x1024xf32, #tpu.memory_space<vmem>>
    tpu.wait_dma2 semaphore(%dma_wait3A_493 : memref<!tpu.dma_semaphore, #tpu.memory_space<semaphore_mem>>) src(%dma_wait3A_501 : memref<1024x1024xf32, #tpu.memory_space<vmem>>) dst(%dma_wait3A_497 : memref<1024x1024xf32, #tpu.memory_space<hbm>>)
    return
  }
}

</mosaic_0001>

<sc_bundles>
// kernel: kernel.4.cloned.1.call-start
scs
__scs_entry_jumppad:
0x0: {  	(pc) =	sbr.rel $0x88, $3  }
0x1: {  	(tag) =	ssettag $0x0;
	lr =	simm.s32 $0x1  }
0x2: {  	[smem:$0x3FA0] =	sst lr;
	_ =	strace $0xD0000000  }
0x3: {  	_ = 	snop  }
0x4: {  	_ = 	snop  }
0x5: {  	_ = 	snop  }
0x6: {  	_ = 	snop  }
0x7: {  	_ = 	snop  }
__scs_overlays_trampoline_lowered:
0x8: {  	[smem:$0x3FAF] =	sst s0  }
0x9: {  	[smem:$0x3FB0] =	sst s1  }
0xa: {  	[smem:$0x3FB1] =	sst s2  }
0xb: {  	[smem:$0x3FB2] =	sst s3  }
0xc: {  	[smem:$0x3FB3] =	sst s4  }
0xd: {  	[smem:$0x3FB4] =	sst s5  }
0xe: {  	[smem:$0x3FB5] =	sst s6  }
0xf: {  	[smem:$0x3FB6] =	sst s7  }
0x10: {  	[smem:$0x3FB7] =	sst s8  }
0x11: {  	[smem:$0x3FB8] =	sst s9;
	s0 =	simm.s32 @!p0 $0x0  }
0x12: {  	s1 =	sld [smem:$0x3F9E];
	s0 =	simm.s32 @p0 $0x1  }
0x13: {  	[smem:$0x3FB9] =	sst s0;
	s0 =	simm.s32 @!p1 $0x0  }
0x14: {  	s2 =	sld [smem:$0x3F9D];
	s0 =	simm.s32 @p1 $0x1  }
0x15: {  	[smem:$0x3FBA] =	sst s0;
	s0 =	simm.s32 @!p2 $0x0  }
0x16: {  	s3 =	sld [smem:$0x3FDB];
	s0 =	simm.s32 @p2 $0x1  }
0x17: {  	s4 =	simm.s32 $0x1BF5;
	[smem:$0x3FBC] =	sst s0  }
0x18: {  	s0 =	sld [smem:$0x3F9F];
	_ =	swait.ge [sflag:s4], $0x0  }
0x19: {  	s7 =	sld [smem:$0x3FA0]  }
0x1a: {  	s8 =	sadd.s32 $0xFFFFE003, lr  }
0x1b: {  	s9 =	sadd.s32 $0xFFFFFEF7, lr;
	s5 =	simm.s32 $0xFFFFFFFF;
	p2 =	slt.u32 s8, $0xFFFFF086  }
0x1c: {  	p1 =	slt.u32 s9, $0xF7A;
	s5 =	simm.s32 @!p2 $0x0  }
0x1d: {  	s5 =	simm.s32 @p1 $0x1;
	p0 =	seq.s32 s7, s2  }
0x1e: {  	s7 =	smul.u32 @!p0 $0xF7A, s2;
	p2 =	seq.s32 @!p0 s5, $0x0  }
0x1f: {  	s9 =	smul.u32 $0xF7A, s1;
	s8 =	simm.s32 @!p0 $0x1BF5;
	p2 =	por !p2, p0  }
0x20: {  	[sflag:s8] =	ssyncset.s32 @!p0 $0xFFFFF086;
	s6 =	sadd.s32 @!p0 s3, s7;
	s7 =	simm.s32 @!p0 $0x108  }
0x21: {  	s3 =	sadd.s32 s3, s9;
	s6 =	sadd.s32 @!p0 $0x88, s6;
	s7 =	simm.s32 @p2 $0x1082  }
0x22: {  	[simem:s7], [sflag:s8] =	dma.local @!p0 [hbm:s6], $0xF7A  }
0x23: {  	s9 =	sor.u32 $0xD0000000, s2;
	s6 =	simm.s32 $0x108;
	_ =	swait.ge @!p0 [sflag:s8], $0x0  }
0x24: {  	s3 =	sadd.s32 $0x88, s3;
	s6 =	simm.s32 @!p1 $0x1082;
	[sflag:s4] =	ssyncset.s32 $0xFFFFF086  }
0x25: {  	[simem:s6], [sflag:s4] =	dma.local [hbm:s3], $0xF7A  }
0x26: {  	[smem:$0x3FA0] =	sst s1;
	(tag) =	ssettag s2;
	_ =	strace s9  }
0x27: {  	s1 =	sld [smem:$0x3FB0]  }
0x28: {  	s2 =	sld [smem:$0x3FB1]  }
0x29: {  	s4 =	sld [smem:$0x3FB3]  }
0x2a: {  	p0 =	seq.s32 s5, $0x0;
	s5 =	sld [smem:$0x3FB4]  }
0x2b: {  	s6 =	sld [smem:$0x3FB5]  }
0x2c: {  	s7 =	sld [smem:$0x3FB6]  }
0x2d: {  	s3 =	simm.s32 $0x108;
	s8 =	sld [smem:$0x3FB7]  }
0x2e: {  	s3 =	simm.s32 @!p0 $0x1082;
	s9 =	sld [smem:$0x3FB8]  }
0x2f: {  	lr =	sadd.s32 s0, s3;
	s0 =	sld [smem:$0x3FAF]  }
0x30: {  	s3 =	sld [smem:$0x3FB2]  }
0x31: {  	[smem:$0x3FBB] =	sst s10  }
0x32: {  	s10 =	sld [smem:$0x3FB9];
	_ =	sdelay $0x3  }
0x33: {  	p0 =	seq.s32 s10, $0x1;
	s10 =	sld [smem:$0x3FBB];
	_ =	sdelay $0x3  }
0x34: {  	[smem:$0x3FBB] =	sst s10  }
0x35: {  	s10 =	sld [smem:$0x3FBA];
	_ =	sdelay $0x3  }
0x36: {  	p1 =	seq.s32 s10, $0x1;
	s10 =	sld [smem:$0x3FBB];
	_ =	sdelay $0x3  }
0x37: {  	[smem:$0x3FBB] =	sst s10  }
0x38: {  	s10 =	sld [smem:$0x3FBC]  }
0x39: {  	_ = 	snop;
	(pc) =	sbr.ind lr, $3  }
0x3a: {  	_ = 	snop  }
0x3b: {  	_ = 	snop  }
0x3c: {  	p2 =	seq.s32 s10, $0x1;
	s10 =	sld [smem:$0x3FBB]  }
0x3d: {  	_ =	shalt  }
0x3e: {  	_ =	shalt  }
0x3f: {  	_ =	shalt  }
0x40: {  	_ =	shalt  }
0x41: {  	_ =	shalt  }
0x42: {  	_ =	shalt  }
0x43: {  	_ =	shalt  }
0x44: {  	_ =	shalt  }
0x45: {  	_ =	shalt  }
0x46: {  	_ =	shalt  }
0x47: {  	_ =	shalt  }
0x48: {  	_ =	shalt  }
0x49: {  	_ =	shalt  }
0x4a: {  	_ =	shalt  }
0x4b: {  	_ =	shalt  }
0x4c: {  	_ =	shalt  }
0x4d: {  	_ =	shalt  }
0x4e: {  	_ =	shalt  }
0x4f: {  	_ =	shalt  }
0x50: {  	_ =	shalt  }
0x51: {  	_ =	shalt  }
0x52: {  	_ =	shalt  }
0x53: {  	_ =	shalt  }
0x54: {  	_ =	shalt  }
0x55: {  	_ =	shalt  }
0x56: {  	_ =	shalt  }
0x57: {  	_ =	shalt  }
0x58: {  	_ =	shalt  }
0x59: {  	_ =	shalt  }
0x5a: {  	_ =	shalt  }
0x5b: {  	_ =	shalt  }
0x5c: {  	_ =	shalt  }
0x5d: {  	_ =	shalt  }
0x5e: {  	_ =	shalt  }
0x5f: {  	_ =	shalt  }
0x60: {  	_ =	shalt  }
0x61: {  	_ =	shalt  }
0x62: {  	_ =	shalt  }
0x63: {  	_ =	shalt  }
0x64: {  	_ =	shalt  }
0x65: {  	_ =	shalt  }
0x66: {  	_ =	shalt  }
0x67: {  	_ =	shalt  }
0x68: {  	_ =	shalt  }
0x69: {  	_ =	shalt  }
0x6a: {  	_ =	shalt  }
0x6b: {  	_ =	shalt  }
0x6c: {  	_ =	shalt  }
0x6d: {  	_ =	shalt  }
0x6e: {  	_ =	shalt  }
0x6f: {  	_ =	shalt  }
0x70: {  	_ =	shalt  }
0x71: {  	_ =	shalt  }
0x72: {  	_ =	shalt  }
0x73: {  	_ =	shalt  }
0x74: {  	_ =	shalt  }
0x75: {  	_ =	shalt  }
0x76: {  	_ =	shalt  }
0x77: {  	_ =	shalt  }
0x78: {  	_ =	shalt  }
0x79: {  	_ =	shalt  }
0x7a: {  	_ =	shalt  }
0x7b: {  	_ =	shalt  }
0x7c: {  	_ =	shalt  }
0x7d: {  	_ =	shalt  }
0x7e: {  	_ =	shalt  }
0x7f: {  	_ =	shalt  }
0x80: {  	_ =	shalt  }
0x81: {  	_ =	shalt  }
0x82: {  	_ =	shalt  }
0x83: {  	_ =	shalt  }
0x84: {  	_ =	shalt  }
0x85: {  	_ =	shalt  }
0x86: {  	_ =	shalt  }
0x87: {  	_ =	shalt  }
.Lfunc_end0:
.L_simem_size_0:
called_computation_lowered:
.L_overlay_start_0:
0x88: {  	s2 =	sld [smem:$0x3FD9]  }
0x89: {  	s3 =	sld [smem:$0x3FFE];
	_ =	sdelay $0x1  }
0x8a: {  	s1 =	srdreg.scid  }
0x8b: {  	s0 =	sand.u32 $0x1, s1  }
0x8c: {  	s18 =	sshll.u32 s0, $0xA;
	s2 =	sadd.s32 s3, s2  }
0x8d: {  	s2 =	sadd.s32 s2, s18  }
0x8e: {  	[smem:$0x3FC7] =	sst s2  }
0x8f: {  	_ = 	snop  }
0x90: {  	s2 =	sld [smem:$0x3FC9]  }
0x91: {  	s19 =	sld [smem:$0x3FD0];
	(tm) =	ssettm $0x1  }
0x92: {  	s4 =	sld [smem:$0x3FFB];
	_ =	sdelay $0x3  }
0x93: {  	_ =	strace s4  }
0x94: {  	s4 =	sld [smem:$0x3FFC];
	_ =	sdelay $0x3  }
0x95: {  	_ =	strace s4  }
0x96: {  	s4 =	sld [smem:$0x3FFD];
	_ =	sdelay $0x3  }
0x97: {  	_ =	strace s4  }
0x98: {  	_ =	strace $0x8FFFFFFF  }
0x99: {  	s20 =	sld [smem:$0x3FDB];
	_ =	sdelay $0x1  }
0x9a: {  	s5 =	simm.s32 $_scs_section_size  }
0x9b: {  	s6 =	simm.s32 $_size__tile_overlayer_lowered;
	s7 =	simm.s32 $_tile_overlayer_lowered  }
0x9c: {  	s23 =	simm.s32 $0x1BFF;
	s22 =	sshll.u32 s7, $0x1;
	s4 =	sadd.s32 s5, s20  }
0x9d: {  	s8 =	simm.s32 $0x0;
	s21 =	sshll.u32 s6, $0x1;
	s6 =	sadd.s32 s22, s4  }
0x9e: {  	[timem:s8], [sflag:s23] =	dma.local [hbm:s6], s21  }
0x9f: {  	_ =	swait.ge [sflag:s23], s21  }
0xa0: {  	s5 =	ssub.s32 $0x0, s21;
	[sflag:s23] =	ssyncset.done $0x0  }
0xa1: {  	[sflag:s23] =	ssyncadd.s32 s5;
	_ =	sdelay $0x1  }
0xa2: {  	s24 =	simm.s32 $0x1B8B  }
0xa3: {  	_ =	swait.ge [sflag:s24], $0x1  }
0xa4: {  	[sflag:s24] =	ssyncset.done $0x0  }
0xa5: {  	s25 =	simm.s32 $0x1B8E;
	[sflag:s24] =	ssyncadd.s32 $0xFFFFFFFF  }
0xa6: {  	s26 =	simm.s32 $execute0_lowered;
	[smem:$0x3FD2] =	sst s25  }
0xa7: {  	s5 =	sshll.u32 s26, $0x1;
	_ =	strace $0x80000046;
	[dreg:$0x1] =	wrdreg $0xFFFFFFFF  }
0xa8: {  	s28 =	simm.s32 $_size_execute0_lowered;
	s4 =	sadd.s32 s4, s5;
	[dreg:$0x0] =	wrdreg $0x0  }
0xa9: {  	s5 =	sshll.u32 s28, $0x1;
	[dreg:$0x2] =	wrdreg s4  }
0xaa: {  	[dreg:$0x3] =	wrdreg s5  }
0xab: {  	[dreg:$0x4] =	wrdreg $0xC0  }
0xac: {  	_ =	task [dreg:s8], $0x5FFFF  }
0xad: {  	[dreg:$0x1] =	wrdreg $0xFFFFFFFF  }
0xae: {  	[dreg:$0x0] =	wrdreg $0x60  }
0xaf: {  	[dreg:$0x2] =	wrdreg s2  }
0xb0: {  	[dreg:$0x3] =	wrdreg s19  }
0xb1: {  	[dreg:$0x4] =	wrdreg $0x9  }
0xb2: {  	_ =	task.clear_ibuf [dreg:s8], $0x5FFFF;
	_ =	strace $0x90000046  }
0xb3: {  	s29 =	simm.s32 $0x9;
	_ =	strace $0x80000048  }
0xb4: {  	_ =	swait.ge [sflag:s29], $0x1  }
0xb5: {  	[sflag:s29] =	ssyncadd.s32 $0xFFFFFFFF  }
0xb6: {  	_ =	strace $0x90000048  }
0xb7: {  	_ =	sfence  }
0xb8: {  	s30 =	sld [smem:$0x0];
	_ =	sdelay $0x2  }
0xb9: {  	s31 =	sshll.u32 s1, $0xD;
	s1 =	sshrl.u32 s1, $0x2  }
0xba: {  	s3 =	sand.u32 $0x4000, s31;
	s1 =	sadd.s32 s1, s30  }
0xbb: {  	s0 =	sor.u32 s3, s0;
	s1 =	sshll.u32 s1, $0x11  }
0xbc: {  	s0 =	sor.u32 s1, s0  }
0xbd: {  	s0 =	sadd.s32 $0x8F2B, s0  }
0xbe: {  	[sflag:s0] =	ssyncadd.remote.s32 $0x1  }
0xbf: {  	_ =	sfence.sel $0xFFFF  }
0xc0: {  	[dreg:$0x0] =	wrdreg $0xFFFFFFFF;
	(pc) =	sbr.abs _section_cstart, $3  }
0xc1: {  	[dreg:$0x1] =	wrdreg $0xFFFFFFFF  }
0xc2: {  	_ =	task.clear_ibuf [dreg:s8], $0x2FFFF;
	_ =	strace $0x9FFFFFFF  }
0xc3: {  	(tm) =	ssettm $0x7FFFFFFF  }
tec
execute0_lowered:
.L_overlay_start_1:
0x0: {  	(tag) =	ssettag $0x1  }
0x1: {  	s9 =	rddreg [dreg:$0x0]  }
0x2: {  	s10 =	rddreg [dreg:$0x1];
	s2 =	srdreg.scid  }
0x3: {  	s0 =	rddreg [dreg:$0x2];
	s1 =	stileid.u32;
	s12 =	sand.u32 $0x1, s2  }
0x4: {  	s2 =	simm.s32 $0x0;
	s3 =	sshll.u32 s1, $0xF;
	s4 =	sshll.u32 s12, $0xE  }
0x5: {  	[smem:$0x7FF] =	sst s2;
	s11 =	sor.u32 s4, s3  }
0x6: {  	_ =	strace $0x80000047;
	s3 =	simm.s32 $0x1;
	s4 =	sadd.s32 s9, s11  }
0x7: {  	[tilespmem:s2], [sflag:$0x1] =	stream.linear.gather [hbm4b:s4+s2], $0x10000, $0x38;
	[tilespmem:$0x10000] =	vst v63  }
0x8: {  	_ =	swait.ge [sflag:s3], $0x10000  }
0x9: {  	[sflag:s3] =	ssyncset.done $0x0  }
0xa: {  	s5 =	sadd.s32 s10, s11;
	[sflag:s3] =	ssyncadd.s32 $0xFFFF0000  }
0xb: {  	[hbm4b:s5+s2] =	stream.linear.scatter [tilespmem:s2], [sflag:$0x1], $0x10000, $0x38;
	[tilespmem:$0x10000] =	vst v63  }
0xc: {  	_ =	swait.ge [sflag:s3], $0x10000  }
0xd: {  	[sflag:s3] =	ssyncset.done $0x0  }
0xe: {  	s6 =	sadd.s32 $0x100000, s5;
	[sflag:s3] =	ssyncadd.s32 $0xFFFF0000  }
0xf: {  	[hbm4b:s6+s2] =	stream.linear.scatter [tilespmem:s2], [sflag:$0x1], $0x10000, $0x38;
	[tilespmem:$0x10000] =	vst v63  }
0x10: {  	_ =	swait.ge [sflag:s3], $0x10000  }
0x11: {  	[sflag:s3] =	ssyncset.done $0x0  }
0x12: {  	s7 =	sadd.s32 $0x200000, s5;
	[sflag:s3] =	ssyncadd.s32 $0xFFFF0000  }
0x13: {  	[hbm4b:s7+s2] =	stream.linear.scatter [tilespmem:s2], [sflag:$0x1], $0x10000, $0x38;
	[tilespmem:$0x10000] =	vst v63  }
0x14: {  	_ =	swait.ge [sflag:s3], $0x10000  }
0x15: {  	[sflag:s3] =	ssyncset.done $0x0  }
0x16: {  	s8 =	sadd.s32 $0x300000, s5;
	[sflag:s3] =	ssyncadd.s32 $0xFFFF0000  }
0x17: {  	[hbm4b:s8+s2] =	stream.linear.scatter [tilespmem:s2], [sflag:$0x1], $0x10000, $0x38;
	[tilespmem:$0x10000] =	vst v63  }
0x18: {  	_ =	swait.ge [sflag:s3], $0x10000  }
0x19: {  	s11 =	sor.u32 $0x2000, s11;
	[sflag:s3] =	ssyncset.done $0x0  }
0x1a: {  	s9 =	sadd.s32 s9, s11;
	[sflag:s3] =	ssyncadd.s32 $0xFFFF0000  }
0x1b: {  	[tilespmem:s2], [sflag:$0x1] =	stream.linear.gather [hbm4b:s9+s2], $0x10000, $0x38;
	[tilespmem:$0x10000] =	vst v63  }
0x1c: {  	_ =	swait.ge [sflag:s3], $0x10000  }
0x1d: {  	[sflag:s3] =	ssyncset.done $0x0  }
0x1e: {  	s10 =	sadd.s32 s10, s11;
	[sflag:s3] =	ssyncadd.s32 $0xFFFF0000  }
0x1f: {  	[hbm4b:s10+s2] =	stream.linear.scatter [tilespmem:s2], [sflag:$0x1], $0x10000, $0x38;
	[tilespmem:$0x10000] =	vst v63  }
0x20: {  	_ =	swait.ge [sflag:s3], $0x10000  }
0x21: {  	[sflag:s3] =	ssyncset.done $0x0  }
0x22: {  	s13 =	ssub.s32 $0x2, s12;
	s11 =	sadd.s32 $0x102000, s5;
	[sflag:s3] =	ssyncadd.s32 $0xFFFF0000  }
0x23: {  	[hbm4b:s11+s2] =	stream.linear.scatter [tilespmem:s2], [sflag:$0x1], $0x10000, $0x38;
	[tilespmem:$0x10000] =	vst v63  }
0x24: {  	s14 =	sshrl.u32 s13, $0x1;
	_ =	swait.ge [sflag:s3], $0x10000  }
0x25: {  	s14 =	ssub.s32 s13, s14;
	[sflag:s3] =	ssyncset.done $0x0  }
0x26: {  	s12 =	sadd.s32 $0x202000, s5;
	s14 =	smax.u32 s14, $0x1;
	[sflag:s3] =	ssyncadd.s32 $0xFFFF0000  }
0x27: {  	[hbm4b:s12+s2] =	stream.linear.scatter [tilespmem:s2], [sflag:$0x1], $0x10000, $0x38;
	[tilespmem:$0x10000] =	vst v63  }
0x28: {  	p0 =	sne.s32 s14, $0x1;
	_ =	swait.ge [sflag:s3], $0x10000  }
.Ltmp0:
0x29: {  	[sflag:s3] =	ssyncset.done $0x0;
	(pc) =	sbr.rel @!p0 .LBB2_2-.Ltmp0, $4  }
0x2a: {  	s13 =	sadd.s32 $0x302000, s5;
	[sflag:s3] =	ssyncadd.s32 $0xFFFF0000  }
0x2b: {  	[hbm4b:s13+s2] =	stream.linear.scatter [tilespmem:s2], [sflag:$0x1], $0x10000, $0x38;
	[tilespmem:$0x10000] =	vst v63  }
0x2c: {  	_ =	swait.ge [sflag:s3], $0x10000  }
0x2d: {  	s14 =	sadd.s32 $0xFFFFFFFF, s14;
	[sflag:s3] =	ssyncset.done $0x0  }
.LBB2_1:
0x2e: {  	p0 =	sne.s32 s14, $0x1;
	s14 =	sadd.s32 $0xFFFFFFFF, s14;
	[sflag:s3] =	ssyncadd.s32 $0xFFFF0000  }
0x2f: {  	[tilespmem:s2], [sflag:$0x1] =	stream.linear.gather [hbm4b:s4+s2], $0x10000, $0x38;
	[tilespmem:$0x10000] =	vst v63  }
0x30: {  	_ =	swait.ge [sflag:s3], $0x10000  }
0x31: {  	[sflag:s3] =	ssyncset.done $0x0  }
0x32: {  	[sflag:s3] =	ssyncadd.s32 $0xFFFF0000  }
0x33: {  	[hbm4b:s5+s2] =	stream.linear.scatter [tilespmem:s2], [sflag:$0x1], $0x10000, $0x38;
	[tilespmem:$0x10000] =	vst v63  }
0x34: {  	_ =	swait.ge [sflag:s3], $0x10000  }
0x35: {  	[sflag:s3] =	ssyncset.done $0x0  }
0x36: {  	[sflag:s3] =	ssyncadd.s32 $0xFFFF0000  }
0x37: {  	[hbm4b:s6+s2] =	stream.linear.scatter [tilespmem:s2], [sflag:$0x1], $0x10000, $0x38;
	[tilespmem:$0x10000] =	vst v63  }
0x38: {  	_ =	swait.ge [sflag:s3], $0x10000  }
0x39: {  	[sflag:s3] =	ssyncset.done $0x0  }
0x3a: {  	[sflag:s3] =	ssyncadd.s32 $0xFFFF0000  }
0x3b: {  	[hbm4b:s7+s2] =	stream.linear.scatter [tilespmem:s2], [sflag:$0x1], $0x10000, $0x38;
	[tilespmem:$0x10000] =	vst v63  }
0x3c: {  	_ =	swait.ge [sflag:s3], $0x10000  }
0x3d: {  	[sflag:s3] =	ssyncset.done $0x0  }
0x3e: {  	[sflag:s3] =	ssyncadd.s32 $0xFFFF0000  }
0x3f: {  	[hbm4b:s8+s2] =	stream.linear.scatter [tilespmem:s2], [sflag:$0x1], $0x10000, $0x38;
	[tilespmem:$0x10000] =	vst v63  }
0x40: {  	_ =	swait.ge [sflag:s3], $0x10000  }
0x41: {  	[sflag:s3] =	ssyncset.done $0x0  }
0x42: {  	[sflag:s3] =	ssyncadd.s32 $0xFFFF0000  }
0x43: {  	[tilespmem:s2], [sflag:$0x1] =	stream.linear.gather [hbm4b:s9+s2], $0x10000, $0x38;
	[tilespmem:$0x10000] =	vst v63  }
0x44: {  	_ =	swait.ge [sflag:s3], $0x10000  }
0x45: {  	[sflag:s3] =	ssyncset.done $0x0  }
0x46: {  	[sflag:s3] =	ssyncadd.s32 $0xFFFF0000  }
0x47: {  	[hbm4b:s10+s2] =	stream.linear.scatter [tilespmem:s2], [sflag:$0x1], $0x10000, $0x38;
	[tilespmem:$0x10000] =	vst v63  }
0x48: {  	_ =	swait.ge [sflag:s3], $0x10000  }
0x49: {  	[sflag:s3] =	ssyncset.done $0x0  }
0x4a: {  	[sflag:s3] =	ssyncadd.s32 $0xFFFF0000  }
0x4b: {  	[hbm4b:s11+s2] =	stream.linear.scatter [tilespmem:s2], [sflag:$0x1], $0x10000, $0x38;
	[tilespmem:$0x10000] =	vst v63  }
0x4c: {  	_ =	swait.ge [sflag:s3], $0x10000  }
0x4d: {  	[sflag:s3] =	ssyncset.done $0x0  }
0x4e: {  	[sflag:s3] =	ssyncadd.s32 $0xFFFF0000  }
0x4f: {  	[hbm4b:s12+s2] =	stream.linear.scatter [tilespmem:s2], [sflag:$0x1], $0x10000, $0x38;
	[tilespmem:$0x10000] =	vst v63  }
0x50: {  	_ =	swait.ge [sflag:s3], $0x10000  }
.Ltmp1:
0x51: {  	[sflag:s3] =	ssyncset.done $0x0;
	(pc) =	sbr.rel @p0 .LBB2_1-.Ltmp1, $4  }
0x52: {  	[sflag:s3] =	ssyncadd.s32 $0xFFFF0000  }
0x53: {  	[hbm4b:s13+s2] =	stream.linear.scatter [tilespmem:s2], [sflag:$0x1], $0x10000, $0x38;
	[tilespmem:$0x10000] =	vst v63  }
0x54: {  	_ =	swait.ge [sflag:s3], $0x10000  }
0x55: {  	[sflag:s3] =	ssyncset.done $0x0  }
.LBB2_2:
0x56: {  	[sflag:s3] =	ssyncadd.s32 $0xFFFF0000  }
0x57: {  	_ =	sfence.sel $0x180000  }
0x58: {  	[bflag:$0x0] =	sbarrier.arrive $0xFFFF  }
0x59: {  	p0 =	sne.s32 s1, $0x0;
	_ =	strace $0x90000047  }
0x5a: {  	s0 =	sadd.s32 @!p0 $0x100000, s0;
	[bflag:$0x2] =	sbarrier.arrive $0xFFFF  }
0x5b: {  	[sflag:s0] =	ssyncadd.tile.s32 @!p0 $0x1;
	_ =	shalt  }
.Lfunc_end2:
_tile_overlayer_lowered:
.L_overlay_start_2:
0x5c: {  	(tag) =	ssettag $0x2  }
0x5d: {  	s0 =	rddreg [dreg:$0x0];
	s2 =	stileid.u32  }
0x5e: {  	s1 =	rddreg [dreg:$0x1];
	p0 =	sne.s32 s2, $0x0  }
0x5f: {  	s3 =	rddreg [dreg:$0x2];
	[bflag:$0x3] =	sbarrier.arrive $0xFFFF;
	s2 =	simm.s32 @!p0 $0x1C01  }
0x60: {  	[timem:s3], [sflag:s2] =	dma.local @!p0 [hbm:s0], s1  }
0x61: {  	s0 =	simm.s32 @!p0 $0x1  }
0x62: {  	_ =	swait.ge @!p0 [sflag:s0], s1  }
0x63: {  	s1 =	ssub.s32 @!p0 $0x0, s1;
	[sflag:s0] =	ssyncset.done @!p0 $0x0  }
0x64: {  	[sflag:s0] =	ssyncadd.s32 @!p0 s1  }
0x65: {  	[bflag:$0x3] =	sbarrier.arrive $0xFFFF  }
0x66: {  	_ =	shalt  }

</sc_bundles>
